<compile_context>
chip_gen: v7x
topology: tpu7x:2x2x1
jax: 0.10.2.dev20260603
libtpu: 0.0.44.dev20260713+nightly
codegen_flags: <defaults>
</compile_context>

<pallas_src>
import functools

import jax
import jax.numpy as jnp
from jax import lax
from jax.experimental import pallas as pl
from jax.experimental.pallas import tpu as pltpu
from jax.experimental.pallas import tpu_sc as plsc

NC = 2
NS = 16

_mesh = lambda: plsc.VectorSubcoreMesh(core_axis_name="c", subcore_axis_name="s")


def _pick_chunk(ept: int) -> int:
    for c in (16000, 10000, 8000, 5000, 4000, 2000, 1000, 800, 400, 200, 104, 8):
        if ept % c == 0 and c % 8 == 0:
            return c
    raise ValueError(f"edges-per-tile {ept} not chunkable")


def _pick_chunk_tab(ept: int, n: int, k: int) -> int:
    cmax = min((131071 - 128) // (4 + 2 * k),
               (1_900_000 - 2 * k * (n + 256)) // ((4 + 2 * k) * NS))
    best = 0
    for d in range(1, ept // 16 + 1):
        c = 16 * d
        if c <= cmax and ept % c == 0:
            best = c
    if best == 0:
        raise ValueError(f"edges-per-tile {ept} not chunkable")
    return best



@functools.partial(jax.jit, static_argnames=("n", "e"))
def _sc_degree(dst, ones_c, zero_n, *, n, e):
    epc = e // NC
    ept = epc // NS
    c = _pick_chunk(ept)
    nch = ept // c

    @functools.partial(
        pl.kernel,
        out_type=jax.ShapeDtypeStruct((NC, n), jnp.float32),
        mesh=_mesh(),
        scratch_types=[
            pltpu.VMEM((c,), jnp.int32),
            pltpu.VMEM((c,), jnp.float32),
            pltpu.VMEM_SHARED((n,), jnp.float32),
        ],
    )
    def deg_kernel(dst_hbm, ones_hbm, zero_hbm, out_hbm, idx_v, ones_v, deg_sh):
        cid = lax.axis_index("c")
        sid = lax.axis_index("s")

        @pl.when(sid == 0)
        def _():
            pltpu.sync_copy(zero_hbm, deg_sh)

        pltpu.sync_copy(ones_hbm, ones_v)
        plsc.subcore_barrier()
        base = cid * epc + sid * ept
        for i in range(nch):
            pltpu.sync_copy(dst_hbm.at[pl.ds(base + i * c, c)], idx_v)
            pltpu.sync_copy(ones_v, deg_sh.at[idx_v], add=True)
        plsc.subcore_barrier()

        @pl.when(sid == 0)
        def _():
            pltpu.sync_copy(deg_sh, out_hbm.at[cid])

    return deg_kernel(dst, ones_c, zero_n)



@functools.partial(jax.jit, static_argnames=("n", "e", "k"))
def _sc_accumulate(src, dst, tables, zero_n, *, n, e, k):
    epc = e // NC
    ept = epc // NS
    c = _pick_chunk_tab(ept, n, k)
    nch = ept // c

    @functools.partial(
        pl.kernel,
        out_type=[jax.ShapeDtypeStruct((NC, n), jnp.float32)] * k,
        mesh=_mesh(),
        scratch_types=[pltpu.VMEM((c,), jnp.int32) for _ in range(4)]
        + [pltpu.VMEM((c,), jnp.float32) for _ in range(2 * k)]
        + [pltpu.VMEM_SHARED((n,), jnp.float32) for _ in range(2 * k)]
        + [pltpu.SemaphoreType.DMA for _ in range(6)],
    )
    def acc_kernel(src_hbm, dst_hbm, *rest):
        tabs = rest[:k]
        zero_hbm = rest[k]
        outs = rest[k + 1 : 2 * k + 1]
        r = rest[2 * k + 1 :]
        sidx = [r[0], r[1]]
        didx = [r[2], r[3]]
        gbuf = [[r[4 + 2 * t], r[5 + 2 * t]] for t in range(k)]
        tab_sh = r[4 + 2 * k : 4 + 3 * k]
        accs = r[4 + 3 * k : 4 + 4 * k]
        sem_i = [r[4 + 4 * k], r[5 + 4 * k]]
        sem_g = [r[6 + 4 * k], r[7 + 4 * k]]
        sem_s = [r[8 + 4 * k], r[9 + 4 * k]]

        cid = lax.axis_index("c")
        sid = lax.axis_index("s")

        for g in range(k):
            @pl.when(sid == 2 * g)
            def _(g=g):
                pltpu.sync_copy(tabs[g], tab_sh[g])

            @pl.when(sid == 2 * g + 1)
            def _(g=g):
                pltpu.sync_copy(zero_hbm, accs[g])

        plsc.subcore_barrier()
        base = cid * epc + sid * ept

        def fire_idx(i, b):
            bb = base + i * c
            d1 = pltpu.async_copy(src_hbm.at[pl.ds(bb, c)], sidx[b], sem_i[b])
            d2 = pltpu.async_copy(dst_hbm.at[pl.ds(bb, c)], didx[b], sem_i[b])
            return (d1, d2)

        descs_i = [None, None]
        descs_s = [None, None]
        descs_i[0] = fire_idx(0, 0)
        for i in range(nch):
            cur = i % 2
            oth = 1 - cur
            for d in descs_i[cur]:
                d.wait()
            if descs_s[cur] is not None:
                for d in descs_s[cur]:
                    d.wait()
                descs_s[cur] = None
            gds = [pltpu.async_copy(tab_sh[t].at[sidx[cur]], gbuf[t][cur],
                                    sem_g[cur]) for t in range(k)]
            for gd in gds:
                gd.wait()
            descs_s[cur] = [pltpu.async_copy(
                gbuf[t][cur], accs[t].at[didx[cur]], sem_s[cur], add=True)
                for t in range(k)]
            if i + 1 < nch:
                if descs_s[oth] is not None:
                    for d in descs_s[oth]:
                        d.wait()
                    descs_s[oth] = None
                descs_i[oth] = fire_idx(i + 1, oth)
        for dsc in descs_s:
            if dsc is not None:
                for d in dsc:
                    d.wait()

        plsc.subcore_barrier()

        for j in range(k):
            @pl.when(sid == 2 * k + j)
            def _(j=j):
                pltpu.sync_copy(accs[j], outs[j].at[cid])

    outs = acc_kernel(src, dst, *tables, zero_n)
    if not isinstance(outs, (list, tuple)):
        outs = (outs,)
    return tuple(outs)



def _vspec(bn):
    return pl.BlockSpec((bn,), lambda j: (j,))


@functools.partial(jax.jit, static_argnames=("n",))
def _tc_prep(deg0, deg1, x, *, n):
    bn = 2048

    def body(d0, d1, xr, dis_o, u0_o, u1_o):
        deg = d0[...] + d1[...] + 1.0
        dis = lax.rsqrt(deg)
        dis_o[...] = dis
        u0_o[...] = dis * xr[:, 0]
        u1_o[...] = dis * xr[:, 1]

    return pl.pallas_call(
        body,
        grid=(pl.cdiv(n, bn),),
        in_specs=[_vspec(bn)] * 2 + [pl.BlockSpec((bn, 2), lambda j: (j, 0))],
        out_specs=[_vspec(bn)] * 3,
        out_shape=[jax.ShapeDtypeStruct((n,), jnp.float32)] * 3,
    )(deg0, deg1, x)


@functools.partial(jax.jit, static_argnames=("n",))
def _tc_mid(a00, a10, u0, a01, a11, u1, dis, w1t, b1c, w2, *, n):
    bn = 1024
    hid = w1t.shape[0]

    def body(a00r, a10r, u0r, a01r, a11r, u1r, disr, w1r, b1r, w2r, w_o):
        dis_v = disr[...]
        pre0 = dis_v * (a00r[...] + a10r[...] + u0r[...])
        pre1 = dis_v * (a01r[...] + a11r[...] + u1r[...])
        w1 = w1r[...]
        h = w1[:, 0:1] * pre0[None, :] + w1[:, 1:2] * pre1[None, :] + b1r[...]
        h = jnp.maximum(h, 0.0)
        z = jnp.sum(h * w2r[...], axis=0)
        w_o[...] = dis_v * z

    wspec = lambda s: pl.BlockSpec(s, lambda j: (0, 0))
    return pl.pallas_call(
        body,
        grid=(pl.cdiv(n, bn),),
        in_specs=[_vspec(bn)] * 7 + [wspec((hid, 2)), wspec((hid, 1)), wspec((hid, 1))],
        out_specs=_vspec(bn),
        out_shape=jax.ShapeDtypeStruct((n,), jnp.float32),
    )(a00, a10, u0, a01, a11, u1, dis, w1t, b1c, w2)


@functools.partial(jax.jit, static_argnames=("n",))
def _tc_fin(a2a, a2b, w, dis, b2c, *, n):
    bn = 2048

    def body(ar, br, wr, disr, b2r, out_o):
        v = disr[...] * (ar[...] + br[...] + wr[...])
        out_o[...] = v[:, None] + b2r[...]

    return pl.pallas_call(
        body,
        grid=(pl.cdiv(n, bn),),
        in_specs=[_vspec(bn)] * 4 + [pl.BlockSpec((1, 1), lambda j: (0, 0))],
        out_specs=pl.BlockSpec((bn, 1), lambda j: (j, 0)),
        out_shape=jax.ShapeDtypeStruct((n, 1), jnp.float32),
    )(a2a, a2b, w, dis, b2c)



@jax.jit
def _run(x, edge_index, W1, b1, W2, b2):
    n = x.shape[0]
    e = edge_index.shape[1]
    hid = W1.shape[1]

    ei = edge_index.astype(jnp.int32)
    src = ei[0]
    dst = ei[1]
    zero_n = jnp.zeros((n,), jnp.float32)
    epc = e // NC
    c = _pick_chunk(epc // NS)
    ones_c = jnp.ones((c,), jnp.float32)

    degp = _sc_degree(dst, ones_c, zero_n, n=n, e=e)
    dis, u0, u1 = _tc_prep(degp[0], degp[1], x, n=n)
    acc0, acc1 = _sc_accumulate(src, dst, (u0, u1), zero_n, n=n, e=e, k=2)
    w = _tc_mid(acc0[0], acc0[1], u0, acc1[0], acc1[1], u1, dis,
                W1.T, b1.reshape(hid, 1), W2, n=n)
    (acc2,) = _sc_accumulate(src, dst, (w,), zero_n, n=n, e=e, k=1)
    return _tc_fin(acc2[0], acc2[1], w, dis, b2.reshape(1, 1), n=n)


def kernel(x, edge_index, W1, b1, W2, b2):
    return _run(x, edge_index, W1, b1, W2, b2)

# --- scband reference (transcript-rebuilt; emitter-appended) ---
"""Pipeline reference for scband-wind-gnn-89292370084484 (READ-ONLY COPY).

The authoritative reference and input builder live on the scoring server;
editing this copy changes nothing except your own understanding.
"""

import jax, jax.numpy as jnp
import numpy as np

N_NODES = 100000
N_EDGES = 3200000
IN_DIM = 2
HID_DIM = 32


def gcn_conv(x, edge_index, W, b):
    # Faithful PyG GCNConv: linear transform, add self-loops,
    # symmetric normalization D^-1/2 A_hat D^-1/2, scatter-add aggregation, bias.
    N = x.shape[0]
    src = edge_index[0]
    dst = edge_index[1]
    loop = jnp.arange(N, dtype=edge_index.dtype)
    src = jnp.concatenate([src, loop])
    dst = jnp.concatenate([dst, loop])
    deg = jnp.zeros((N,), dtype=x.dtype).at[dst].add(1.0)
    deg_inv_sqrt = jnp.where(deg > 0, deg ** -0.5, 0.0)
    norm = deg_inv_sqrt[src] * deg_inv_sqrt[dst]
    h = x @ W
    msg = h[src] * norm[:, None]
    out = jnp.zeros((N, h.shape[1]), dtype=x.dtype).at[dst].add(msg)
    return out + b


def setup_inputs(seed: int = 0) -> dict:
    key = jax.random.key(seed)
    k_x, k_e, k_w1, k_b1, k_w2, k_b2 = jax.random.split(key, 6)
    x = jax.random.normal(k_x, (N_NODES, IN_DIM), dtype=jnp.float32)
    edge_index = jax.random.randint(k_e, (2, N_EDGES), 0, N_NODES, dtype=jnp.int64)
    W1 = jax.random.normal(k_w1, (IN_DIM, HID_DIM), dtype=jnp.float32) * (1.0 / np.sqrt(IN_DIM))
    b1 = jnp.zeros((HID_DIM,), dtype=jnp.float32)
    W2 = jax.random.normal(k_w2, (HID_DIM, 1), dtype=jnp.float32) * (1.0 / np.sqrt(HID_DIM))
    b2 = jnp.zeros((1,), dtype=jnp.float32)
    return {"x": x, "edge_index": edge_index, "W1": W1, "b1": b1, "W2": W2, "b2": b2}


def reference(x, edge_index, W1, b1, W2, b2):
    h = gcn_conv(x, edge_index, W1, b1)
    h = jax.nn.relu(h)
    out = gcn_conv(h, edge_index, W2, b2)
    return out

if __name__ == "__main__":
    import jax
    _d = setup_inputs()
    print(jax.jit(kernel)(*tuple(_d.values())))

</pallas_src>

<mosaic_0001>
#map = affine_map<(d0, d1) -> (0)>
#map1 = affine_map<(d0, d1) -> (0, 0)>
module attributes {stable_mosaic.version = 14 : i64} {
  func.func @deg_kernel(%arg0: i32, %arg1: i32, %arg2: memref<3200000xi32, #tpu.memory_space<hbm>>, %arg3: memref<10000xf32, #tpu.memory_space<hbm>>, %arg4: memref<100000xf32, #tpu.memory_space<hbm>>, %arg5: memref<2x100000xf32, #tpu.memory_space<hbm>>, %arg6: memref<10000xi32, #tpu.memory_space<vmem>>, %arg7: memref<10000xf32, #tpu.memory_space<vmem>>, %arg8: memref<100000xf32, #tpu.memory_space<vmem_shared>>) attributes {dimension_semantics = [#tpu.dimension_semantics<core_parallel>, #tpu.dimension_semantics<subcore_parallel>], iteration_bounds = array<i64: 2, 16>, scalar_prefetch = 0 : i64, scratch_operands = 3 : i64, tpu.core_type = #tpu.core_type<sc_vector_subcore>, window_params = [{transform_indices = #map}, {transform_indices = #map}, {transform_indices = #map}, {transform_indices = #map1}]} {
    %eq3A = arith.constant 0 : i32
    %eq3A_0 = arith.cmpi eq, %arg1, %eq3A : i32
    %convert_element_type3A = arith.extui %eq3A_0 : i1 to i32
    %cond3A = arith.constant 0 : i32
    %cond3A_1 = arith.cmpi ne, %convert_element_type3A, %cond3A : i32
    scf.if %cond3A_1 {
      "tpu.region"() ({
        %run_scoped3A = tpu.sem_alloc : memref<!tpu.dma_semaphore, #tpu.memory_space<semaphore_mem>>
        tpu.enqueue_dma source(%arg4 : memref<100000xf32, #tpu.memory_space<hbm>>) target(%arg8 : memref<100000xf32, #tpu.memory_space<vmem_shared>>) target_semaphore(%run_scoped3A : memref<!tpu.dma_semaphore, #tpu.memory_space<semaphore_mem>>)
        tpu.wait_dma2 semaphore(%run_scoped3A : memref<!tpu.dma_semaphore, #tpu.memory_space<semaphore_mem>>) src(%arg4 : memref<100000xf32, #tpu.memory_space<hbm>>) dst(%arg8 : memref<100000xf32, #tpu.memory_space<vmem_shared>>)
        tpu.yield
      }) : () -> ()
    } else {
    }
    "tpu.region"() ({
      %run_scoped3A = tpu.sem_alloc : memref<!tpu.dma_semaphore, #tpu.memory_space<semaphore_mem>>
      tpu.enqueue_dma source(%arg3 : memref<10000xf32, #tpu.memory_space<hbm>>) target(%arg7 : memref<10000xf32, #tpu.memory_space<vmem>>) target_semaphore(%run_scoped3A : memref<!tpu.dma_semaphore, #tpu.memory_space<semaphore_mem>>)
      tpu.wait_dma2 semaphore(%run_scoped3A : memref<!tpu.dma_semaphore, #tpu.memory_space<semaphore_mem>>) src(%arg3 : memref<10000xf32, #tpu.memory_space<hbm>>) dst(%arg7 : memref<10000xf32, #tpu.memory_space<vmem>>)
      tpu.yield
    }) : () -> ()
    %barrier3A = arith.constant 0 : index
    tpu.barrier barrier_id(%barrier3A)
    %mul3A = arith.constant 1600000 : i32
    %mul3A_2 = arith.muli %arg0, %mul3A : i32
    %mul3A_3 = arith.constant 100000 : i32
    %mul3A_4 = arith.muli %arg1, %mul3A_3 : i32
    %add3A = arith.addi %mul3A_2, %mul3A_4 : i32
    %add3A_5 = arith.constant 0 : i32
    %add3A_6 = arith.addi %add3A, %add3A_5 : i32
    "tpu.region"() ({
      %run_scoped3A = tpu.sem_alloc : memref<!tpu.dma_semaphore, #tpu.memory_space<semaphore_mem>>
      %dma_start3A = tpu.memref_slice %arg2[%add3A_6] : memref<3200000xi32, #tpu.memory_space<hbm>> -> memref<10000xi32, #tpu.memory_space<hbm>>
      %dma_start3A_31 = tpu.memref_slice %arg2[%add3A_6] : memref<3200000xi32, #tpu.memory_space<hbm>> -> memref<10000xi32, #tpu.memory_space<hbm>>
      tpu.enqueue_dma source(%dma_start3A_31 : memref<10000xi32, #tpu.memory_space<hbm>>) target(%arg6 : memref<10000xi32, #tpu.memory_space<vmem>>) target_semaphore(%run_scoped3A : memref<!tpu.dma_semaphore, #tpu.memory_space<semaphore_mem>>)
      %dma_wait3A = tpu.memref_slice %arg2[%add3A_6] : memref<3200000xi32, #tpu.memory_space<hbm>> -> memref<10000xi32, #tpu.memory_space<hbm>>
      %dma_wait3A_32 = tpu.memref_slice %arg2[%add3A_6] : memref<3200000xi32, #tpu.memory_space<hbm>> -> memref<10000xi32, #tpu.memory_space<hbm>>
      tpu.wait_dma2 semaphore(%run_scoped3A : memref<!tpu.dma_semaphore, #tpu.memory_space<semaphore_mem>>) src(%dma_wait3A_32 : memref<10000xi32, #tpu.memory_space<hbm>>) dst(%arg6 : memref<10000xi32, #tpu.memory_space<vmem>>)
      tpu.yield
    }) : () -> ()
    "tpu.region"() ({
      %run_scoped3A = tpu.sem_alloc : memref<!tpu.dma_semaphore, #tpu.memory_space<semaphore_mem>>
      %dma_start3A = arith.constant 0 : i32
      %dma_start3A_31 = tpu.memref_slice %arg8[%dma_start3A] : memref<100000xf32, #tpu.memory_space<vmem_shared>> -> memref<100000xf32, #tpu.memory_space<vmem_shared>>
      tpu.enqueue_indirect_dma source(%arg7 : memref<10000xf32, #tpu.memory_space<vmem>>) target(%dma_start3A_31 : memref<100000xf32, #tpu.memory_space<vmem_shared>>) offsets(%arg6 : memref<10000xi32, #tpu.memory_space<vmem>>) semaphore(%run_scoped3A : memref<!tpu.dma_semaphore, #tpu.memory_space<semaphore_mem>>) {add = true}
      %dma_wait3A = arith.constant 0 : i32
      %dma_wait3A_32 = tpu.memref_slice %arg8[%dma_wait3A] : memref<100000xf32, #tpu.memory_space<vmem_shared>> -> memref<100000xf32, #tpu.memory_space<vmem_shared>>
      tpu.wait_indirect_dma semaphore(%run_scoped3A : memref<!tpu.dma_semaphore, #tpu.memory_space<semaphore_mem>>) src(%arg7 : memref<10000xf32, #tpu.memory_space<vmem>>) dst(%dma_wait3A_32 : memref<100000xf32, #tpu.memory_space<vmem_shared>>)
      tpu.yield
    }) : () -> ()
    %add3A_7 = arith.constant 10000 : i32
    %add3A_8 = arith.addi %add3A, %add3A_7 : i32
    "tpu.region"() ({
      %run_scoped3A = tpu.sem_alloc : memref<!tpu.dma_semaphore, #tpu.memory_space<semaphore_mem>>
      %dma_start3A = tpu.memref_slice %arg2[%add3A_8] : memref<3200000xi32, #tpu.memory_space<hbm>> -> memref<10000xi32, #tpu.memory_space<hbm>>
      %dma_start3A_31 = tpu.memref_slice %arg2[%add3A_8] : memref<3200000xi32, #tpu.memory_space<hbm>> -> memref<10000xi32, #tpu.memory_space<hbm>>
      tpu.enqueue_dma source(%dma_start3A_31 : memref<10000xi32, #tpu.memory_space<hbm>>) target(%arg6 : memref<10000xi32, #tpu.memory_space<vmem>>) target_semaphore(%run_scoped3A : memref<!tpu.dma_semaphore, #tpu.memory_space<semaphore_mem>>)
      %dma_wait3A = tpu.memref_slice %arg2[%add3A_8] : memref<3200000xi32, #tpu.memory_space<hbm>> -> memref<10000xi32, #tpu.memory_space<hbm>>
      %dma_wait3A_32 = tpu.memref_slice %arg2[%add3A_8] : memref<3200000xi32, #tpu.memory_space<hbm>> -> memref<10000xi32, #tpu.memory_space<hbm>>
      tpu.wait_dma2 semaphore(%run_scoped3A : memref<!tpu.dma_semaphore, #tpu.memory_space<semaphore_mem>>) src(%dma_wait3A_32 : memref<10000xi32, #tpu.memory_space<hbm>>) dst(%arg6 : memref<10000xi32, #tpu.memory_space<vmem>>)
      tpu.yield
    }) : () -> ()
    "tpu.region"() ({
      %run_scoped3A = tpu.sem_alloc : memref<!tpu.dma_semaphore, #tpu.memory_space<semaphore_mem>>
      %dma_start3A = arith.constant 0 : i32
      %dma_start3A_31 = tpu.memref_slice %arg8[%dma_start3A] : memref<100000xf32, #tpu.memory_space<vmem_shared>> -> memref<100000xf32, #tpu.memory_space<vmem_shared>>
      tpu.enqueue_indirect_dma source(%arg7 : memref<10000xf32, #tpu.memory_space<vmem>>) target(%dma_start3A_31 : memref<100000xf32, #tpu.memory_space<vmem_shared>>) offsets(%arg6 : memref<10000xi32, #tpu.memory_space<vmem>>) semaphore(%run_scoped3A : memref<!tpu.dma_semaphore, #tpu.memory_space<semaphore_mem>>) {add = true}
      %dma_wait3A = arith.constant 0 : i32
      %dma_wait3A_32 = tpu.memref_slice %arg8[%dma_wait3A] : memref<100000xf32, #tpu.memory_space<vmem_shared>> -> memref<100000xf32, #tpu.memory_space<vmem_shared>>
      tpu.wait_indirect_dma semaphore(%run_scoped3A : memref<!tpu.dma_semaphore, #tpu.memory_space<semaphore_mem>>) src(%arg7 : memref<10000xf32, #tpu.memory_space<vmem>>) dst(%dma_wait3A_32 : memref<100000xf32, #tpu.memory_space<vmem_shared>>)
      tpu.yield
    }) : () -> ()
    %add3A_9 = arith.constant 20000 : i32
    %add3A_10 = arith.addi %add3A, %add3A_9 : i32
    "tpu.region"() ({
      %run_scoped3A = tpu.sem_alloc : memref<!tpu.dma_semaphore, #tpu.memory_space<semaphore_mem>>
      %dma_start3A = tpu.memref_slice %arg2[%add3A_10] : memref<3200000xi32, #tpu.memory_space<hbm>> -> memref<10000xi32, #tpu.memory_space<hbm>>
      %dma_start3A_31 = tpu.memref_slice %arg2[%add3A_10] : memref<3200000xi32, #tpu.memory_space<hbm>> -> memref<10000xi32, #tpu.memory_space<hbm>>
      tpu.enqueue_dma source(%dma_start3A_31 : memref<10000xi32, #tpu.memory_space<hbm>>) target(%arg6 : memref<10000xi32, #tpu.memory_space<vmem>>) target_semaphore(%run_scoped3A : memref<!tpu.dma_semaphore, #tpu.memory_space<semaphore_mem>>)
      %dma_wait3A = tpu.memref_slice %arg2[%add3A_10] : memref<3200000xi32, #tpu.memory_space<hbm>> -> memref<10000xi32, #tpu.memory_space<hbm>>
      %dma_wait3A_32 = tpu.memref_slice %arg2[%add3A_10] : memref<3200000xi32, #tpu.memory_space<hbm>> -> memref<10000xi32, #tpu.memory_space<hbm>>
      tpu.wait_dma2 semaphore(%run_scoped3A : memref<!tpu.dma_semaphore, #tpu.memory_space<semaphore_mem>>) src(%dma_wait3A_32 : memref<10000xi32, #tpu.memory_space<hbm>>) dst(%arg6 : memref<10000xi32, #tpu.memory_space<vmem>>)
      tpu.yield
    }) : () -> ()
    "tpu.region"() ({
      %run_scoped3A = tpu.sem_alloc : memref<!tpu.dma_semaphore, #tpu.memory_space<semaphore_mem>>
      %dma_start3A = arith.constant 0 : i32
      %dma_start3A_31 = tpu.memref_slice %arg8[%dma_start3A] : memref<100000xf32, #tpu.memory_space<vmem_shared>> -> memref<100000xf32, #tpu.memory_space<vmem_shared>>
      tpu.enqueue_indirect_dma source(%arg7 : memref<10000xf32, #tpu.memory_space<vmem>>) target(%dma_start3A_31 : memref<100000xf32, #tpu.memory_space<vmem_shared>>) offsets(%arg6 : memref<10000xi32, #tpu.memory_space<vmem>>) semaphore(%run_scoped3A : memref<!tpu.dma_semaphore, #tpu.memory_space<semaphore_mem>>) {add = true}
      %dma_wait3A = arith.constant 0 : i32
      %dma_wait3A_32 = tpu.memref_slice %arg8[%dma_wait3A] : memref<100000xf32, #tpu.memory_space<vmem_shared>> -> memref<100000xf32, #tpu.memory_space<vmem_shared>>
      tpu.wait_indirect_dma semaphore(%run_scoped3A : memref<!tpu.dma_semaphore, #tpu.memory_space<semaphore_mem>>) src(%arg7 : memref<10000xf32, #tpu.memory_space<vmem>>) dst(%dma_wait3A_32 : memref<100000xf32, #tpu.memory_space<vmem_shared>>)
      tpu.yield
    }) : () -> ()
    %add3A_11 = arith.constant 30000 : i32
    %add3A_12 = arith.addi %add3A, %add3A_11 : i32
    "tpu.region"() ({
      %run_scoped3A = tpu.sem_alloc : memref<!tpu.dma_semaphore, #tpu.memory_space<semaphore_mem>>
      %dma_start3A = tpu.memref_slice %arg2[%add3A_12] : memref<3200000xi32, #tpu.memory_space<hbm>> -> memref<10000xi32, #tpu.memory_space<hbm>>
      %dma_start3A_31 = tpu.memref_slice %arg2[%add3A_12] : memref<3200000xi32, #tpu.memory_space<hbm>> -> memref<10000xi32, #tpu.memory_space<hbm>>
      tpu.enqueue_dma source(%dma_start3A_31 : memref<10000xi32, #tpu.memory_space<hbm>>) target(%arg6 : memref<10000xi32, #tpu.memory_space<vmem>>) target_semaphore(%run_scoped3A : memref<!tpu.dma_semaphore, #tpu.memory_space<semaphore_mem>>)
      %dma_wait3A = tpu.memref_slice %arg2[%add3A_12] : memref<3200000xi32, #tpu.memory_space<hbm>> -> memref<10000xi32, #tpu.memory_space<hbm>>
      %dma_wait3A_32 = tpu.memref_slice %arg2[%add3A_12] : memref<3200000xi32, #tpu.memory_space<hbm>> -> memref<10000xi32, #tpu.memory_space<hbm>>
      tpu.wait_dma2 semaphore(%run_scoped3A : memref<!tpu.dma_semaphore, #tpu.memory_space<semaphore_mem>>) src(%dma_wait3A_32 : memref<10000xi32, #tpu.memory_space<hbm>>) dst(%arg6 : memref<10000xi32, #tpu.memory_space<vmem>>)
      tpu.yield
    }) : () -> ()
    "tpu.region"() ({
      %run_scoped3A = tpu.sem_alloc : memref<!tpu.dma_semaphore, #tpu.memory_space<semaphore_mem>>
      %dma_start3A = arith.constant 0 : i32
      %dma_start3A_31 = tpu.memref_slice %arg8[%dma_start3A] : memref<100000xf32, #tpu.memory_space<vmem_shared>> -> memref<100000xf32, #tpu.memory_space<vmem_shared>>
      tpu.enqueue_indirect_dma source(%arg7 : memref<10000xf32, #tpu.memory_space<vmem>>) target(%dma_start3A_31 : memref<100000xf32, #tpu.memory_space<vmem_shared>>) offsets(%arg6 : memref<10000xi32, #tpu.memory_space<vmem>>) semaphore(%run_scoped3A : memref<!tpu.dma_semaphore, #tpu.memory_space<semaphore_mem>>) {add = true}
      %dma_wait3A = arith.constant 0 : i32
      %dma_wait3A_32 = tpu.memref_slice %arg8[%dma_wait3A] : memref<100000xf32, #tpu.memory_space<vmem_shared>> -> memref<100000xf32, #tpu.memory_space<vmem_shared>>
      tpu.wait_indirect_dma semaphore(%run_scoped3A : memref<!tpu.dma_semaphore, #tpu.memory_space<semaphore_mem>>) src(%arg7 : memref<10000xf32, #tpu.memory_space<vmem>>) dst(%dma_wait3A_32 : memref<100000xf32, #tpu.memory_space<vmem_shared>>)
      tpu.yield
    }) : () -> ()
    %add3A_13 = arith.constant 40000 : i32
    %add3A_14 = arith.addi %add3A, %add3A_13 : i32
    "tpu.region"() ({
      %run_scoped3A = tpu.sem_alloc : memref<!tpu.dma_semaphore, #tpu.memory_space<semaphore_mem>>
      %dma_start3A = tpu.memref_slice %arg2[%add3A_14] : memref<3200000xi32, #tpu.memory_space<hbm>> -> memref<10000xi32, #tpu.memory_space<hbm>>
      %dma_start3A_31 = tpu.memref_slice %arg2[%add3A_14] : memref<3200000xi32, #tpu.memory_space<hbm>> -> memref<10000xi32, #tpu.memory_space<hbm>>
      tpu.enqueue_dma source(%dma_start3A_31 : memref<10000xi32, #tpu.memory_space<hbm>>) target(%arg6 : memref<10000xi32, #tpu.memory_space<vmem>>) target_semaphore(%run_scoped3A : memref<!tpu.dma_semaphore, #tpu.memory_space<semaphore_mem>>)
      %dma_wait3A = tpu.memref_slice %arg2[%add3A_14] : memref<3200000xi32, #tpu.memory_space<hbm>> -> memref<10000xi32, #tpu.memory_space<hbm>>
      %dma_wait3A_32 = tpu.memref_slice %arg2[%add3A_14] : memref<3200000xi32, #tpu.memory_space<hbm>> -> memref<10000xi32, #tpu.memory_space<hbm>>
      tpu.wait_dma2 semaphore(%run_scoped3A : memref<!tpu.dma_semaphore, #tpu.memory_space<semaphore_mem>>) src(%dma_wait3A_32 : memref<10000xi32, #tpu.memory_space<hbm>>) dst(%arg6 : memref<10000xi32, #tpu.memory_space<vmem>>)
      tpu.yield
    }) : () -> ()
    "tpu.region"() ({
      %run_scoped3A = tpu.sem_alloc : memref<!tpu.dma_semaphore, #tpu.memory_space<semaphore_mem>>
      %dma_start3A = arith.constant 0 : i32
      %dma_start3A_31 = tpu.memref_slice %arg8[%dma_start3A] : memref<100000xf32, #tpu.memory_space<vmem_shared>> -> memref<100000xf32, #tpu.memory_space<vmem_shared>>
      tpu.enqueue_indirect_dma source(%arg7 : memref<10000xf32, #tpu.memory_space<vmem>>) target(%dma_start3A_31 : memref<100000xf32, #tpu.memory_space<vmem_shared>>) offsets(%arg6 : memref<10000xi32, #tpu.memory_space<vmem>>) semaphore(%run_scoped3A : memref<!tpu.dma_semaphore, #tpu.memory_space<semaphore_mem>>) {add = true}
      %dma_wait3A = arith.constant 0 : i32
      %dma_wait3A_32 = tpu.memref_slice %arg8[%dma_wait3A] : memref<100000xf32, #tpu.memory_space<vmem_shared>> -> memref<100000xf32, #tpu.memory_space<vmem_shared>>
      tpu.wait_indirect_dma semaphore(%run_scoped3A : memref<!tpu.dma_semaphore, #tpu.memory_space<semaphore_mem>>) src(%arg7 : memref<10000xf32, #tpu.memory_space<vmem>>) dst(%dma_wait3A_32 : memref<100000xf32, #tpu.memory_space<vmem_shared>>)
      tpu.yield
    }) : () -> ()
    %add3A_15 = arith.constant 50000 : i32
    %add3A_16 = arith.addi %add3A, %add3A_15 : i32
    "tpu.region"() ({
      %run_scoped3A = tpu.sem_alloc : memref<!tpu.dma_semaphore, #tpu.memory_space<semaphore_mem>>
      %dma_start3A = tpu.memref_slice %arg2[%add3A_16] : memref<3200000xi32, #tpu.memory_space<hbm>> -> memref<10000xi32, #tpu.memory_space<hbm>>
      %dma_start3A_31 = tpu.memref_slice %arg2[%add3A_16] : memref<3200000xi32, #tpu.memory_space<hbm>> -> memref<10000xi32, #tpu.memory_space<hbm>>
      tpu.enqueue_dma source(%dma_start3A_31 : memref<10000xi32, #tpu.memory_space<hbm>>) target(%arg6 : memref<10000xi32, #tpu.memory_space<vmem>>) target_semaphore(%run_scoped3A : memref<!tpu.dma_semaphore, #tpu.memory_space<semaphore_mem>>)
      %dma_wait3A = tpu.memref_slice %arg2[%add3A_16] : memref<3200000xi32, #tpu.memory_space<hbm>> -> memref<10000xi32, #tpu.memory_space<hbm>>
      %dma_wait3A_32 = tpu.memref_slice %arg2[%add3A_16] : memref<3200000xi32, #tpu.memory_space<hbm>> -> memref<10000xi32, #tpu.memory_space<hbm>>
      tpu.wait_dma2 semaphore(%run_scoped3A : memref<!tpu.dma_semaphore, #tpu.memory_space<semaphore_mem>>) src(%dma_wait3A_32 : memref<10000xi32, #tpu.memory_space<hbm>>) dst(%arg6 : memref<10000xi32, #tpu.memory_space<vmem>>)
      tpu.yield
    }) : () -> ()
    "tpu.region"() ({
      %run_scoped3A = tpu.sem_alloc : memref<!tpu.dma_semaphore, #tpu.memory_space<semaphore_mem>>
      %dma_start3A = arith.constant 0 : i32
      %dma_start3A_31 = tpu.memref_slice %arg8[%dma_start3A] : memref<100000xf32, #tpu.memory_space<vmem_shared>> -> memref<100000xf32, #tpu.memory_space<vmem_shared>>
      tpu.enqueue_indirect_dma source(%arg7 : memref<10000xf32, #tpu.memory_space<vmem>>) target(%dma_start3A_31 : memref<100000xf32, #tpu.memory_space<vmem_shared>>) offsets(%arg6 : memref<10000xi32, #tpu.memory_space<vmem>>) semaphore(%run_scoped3A : memref<!tpu.dma_semaphore, #tpu.memory_space<semaphore_mem>>) {add = true}
      %dma_wait3A = arith.constant 0 : i32
      %dma_wait3A_32 = tpu.memref_slice %arg8[%dma_wait3A] : memref<100000xf32, #tpu.memory_space<vmem_shared>> -> memref<100000xf32, #tpu.memory_space<vmem_shared>>
      tpu.wait_indirect_dma semaphore(%run_scoped3A : memref<!tpu.dma_semaphore, #tpu.memory_space<semaphore_mem>>) src(%arg7 : memref<10000xf32, #tpu.memory_space<vmem>>) dst(%dma_wait3A_32 : memref<100000xf32, #tpu.memory_space<vmem_shared>>)
      tpu.yield
    }) : () -> ()
    %add3A_17 = arith.constant 60000 : i32
    %add3A_18 = arith.addi %add3A, %add3A_17 : i32
    "tpu.region"() ({
      %run_scoped3A = tpu.sem_alloc : memref<!tpu.dma_semaphore, #tpu.memory_space<semaphore_mem>>
      %dma_start3A = tpu.memref_slice %arg2[%add3A_18] : memref<3200000xi32, #tpu.memory_space<hbm>> -> memref<10000xi32, #tpu.memory_space<hbm>>
      %dma_start3A_31 = tpu.memref_slice %arg2[%add3A_18] : memref<3200000xi32, #tpu.memory_space<hbm>> -> memref<10000xi32, #tpu.memory_space<hbm>>
      tpu.enqueue_dma source(%dma_start3A_31 : memref<10000xi32, #tpu.memory_space<hbm>>) target(%arg6 : memref<10000xi32, #tpu.memory_space<vmem>>) target_semaphore(%run_scoped3A : memref<!tpu.dma_semaphore, #tpu.memory_space<semaphore_mem>>)
      %dma_wait3A = tpu.memref_slice %arg2[%add3A_18] : memref<3200000xi32, #tpu.memory_space<hbm>> -> memref<10000xi32, #tpu.memory_space<hbm>>
      %dma_wait3A_32 = tpu.memref_slice %arg2[%add3A_18] : memref<3200000xi32, #tpu.memory_space<hbm>> -> memref<10000xi32, #tpu.memory_space<hbm>>
      tpu.wait_dma2 semaphore(%run_scoped3A : memref<!tpu.dma_semaphore, #tpu.memory_space<semaphore_mem>>) src(%dma_wait3A_32 : memref<10000xi32, #tpu.memory_space<hbm>>) dst(%arg6 : memref<10000xi32, #tpu.memory_space<vmem>>)
      tpu.yield
    }) : () -> ()
    "tpu.region"() ({
      %run_scoped3A = tpu.sem_alloc : memref<!tpu.dma_semaphore, #tpu.memory_space<semaphore_mem>>
      %dma_start3A = arith.constant 0 : i32
      %dma_start3A_31 = tpu.memref_slice %arg8[%dma_start3A] : memref<100000xf32, #tpu.memory_space<vmem_shared>> -> memref<100000xf32, #tpu.memory_space<vmem_shared>>
      tpu.enqueue_indirect_dma source(%arg7 : memref<10000xf32, #tpu.memory_space<vmem>>) target(%dma_start3A_31 : memref<100000xf32, #tpu.memory_space<vmem_shared>>) offsets(%arg6 : memref<10000xi32, #tpu.memory_space<vmem>>) semaphore(%run_scoped3A : memref<!tpu.dma_semaphore, #tpu.memory_space<semaphore_mem>>) {add = true}
      %dma_wait3A = arith.constant 0 : i32
      %dma_wait3A_32 = tpu.memref_slice %arg8[%dma_wait3A] : memref<100000xf32, #tpu.memory_space<vmem_shared>> -> memref<100000xf32, #tpu.memory_space<vmem_shared>>
      tpu.wait_indirect_dma semaphore(%run_scoped3A : memref<!tpu.dma_semaphore, #tpu.memory_space<semaphore_mem>>) src(%arg7 : memref<10000xf32, #tpu.memory_space<vmem>>) dst(%dma_wait3A_32 : memref<100000xf32, #tpu.memory_space<vmem_shared>>)
      tpu.yield
    }) : () -> ()
    %add3A_19 = arith.constant 70000 : i32
    %add3A_20 = arith.addi %add3A, %add3A_19 : i32
    "tpu.region"() ({
      %run_scoped3A = tpu.sem_alloc : memref<!tpu.dma_semaphore, #tpu.memory_space<semaphore_mem>>
      %dma_start3A = tpu.memref_slice %arg2[%add3A_20] : memref<3200000xi32, #tpu.memory_space<hbm>> -> memref<10000xi32, #tpu.memory_space<hbm>>
      %dma_start3A_31 = tpu.memref_slice %arg2[%add3A_20] : memref<3200000xi32, #tpu.memory_space<hbm>> -> memref<10000xi32, #tpu.memory_space<hbm>>
      tpu.enqueue_dma source(%dma_start3A_31 : memref<10000xi32, #tpu.memory_space<hbm>>) target(%arg6 : memref<10000xi32, #tpu.memory_space<vmem>>) target_semaphore(%run_scoped3A : memref<!tpu.dma_semaphore, #tpu.memory_space<semaphore_mem>>)
      %dma_wait3A = tpu.memref_slice %arg2[%add3A_20] : memref<3200000xi32, #tpu.memory_space<hbm>> -> memref<10000xi32, #tpu.memory_space<hbm>>
      %dma_wait3A_32 = tpu.memref_slice %arg2[%add3A_20] : memref<3200000xi32, #tpu.memory_space<hbm>> -> memref<10000xi32, #tpu.memory_space<hbm>>
      tpu.wait_dma2 semaphore(%run_scoped3A : memref<!tpu.dma_semaphore, #tpu.memory_space<semaphore_mem>>) src(%dma_wait3A_32 : memref<10000xi32, #tpu.memory_space<hbm>>) dst(%arg6 : memref<10000xi32, #tpu.memory_space<vmem>>)
      tpu.yield
    }) : () -> ()
    "tpu.region"() ({
      %run_scoped3A = tpu.sem_alloc : memref<!tpu.dma_semaphore, #tpu.memory_space<semaphore_mem>>
      %dma_start3A = arith.constant 0 : i32
      %dma_start3A_31 = tpu.memref_slice %arg8[%dma_start3A] : memref<100000xf32, #tpu.memory_space<vmem_shared>> -> memref<100000xf32, #tpu.memory_space<vmem_shared>>
      tpu.enqueue_indirect_dma source(%arg7 : memref<10000xf32, #tpu.memory_space<vmem>>) target(%dma_start3A_31 : memref<100000xf32, #tpu.memory_space<vmem_shared>>) offsets(%arg6 : memref<10000xi32, #tpu.memory_space<vmem>>) semaphore(%run_scoped3A : memref<!tpu.dma_semaphore, #tpu.memory_space<semaphore_mem>>) {add = true}
      %dma_wait3A = arith.constant 0 : i32
      %dma_wait3A_32 = tpu.memref_slice %arg8[%dma_wait3A] : memref<100000xf32, #tpu.memory_space<vmem_shared>> -> memref<100000xf32, #tpu.memory_space<vmem_shared>>
      tpu.wait_indirect_dma semaphore(%run_scoped3A : memref<!tpu.dma_semaphore, #tpu.memory_space<semaphore_mem>>) src(%arg7 : memref<10000xf32, #tpu.memory_space<vmem>>) dst(%dma_wait3A_32 : memref<100000xf32, #tpu.memory_space<vmem_shared>>)
      tpu.yield
    }) : () -> ()
    %add3A_21 = arith.constant 80000 : i32
    %add3A_22 = arith.addi %add3A, %add3A_21 : i32
    "tpu.region"() ({
      %run_scoped3A = tpu.sem_alloc : memref<!tpu.dma_semaphore, #tpu.memory_space<semaphore_mem>>
      %dma_start3A = tpu.memref_slice %arg2[%add3A_22] : memref<3200000xi32, #tpu.memory_space<hbm>> -> memref<10000xi32, #tpu.memory_space<hbm>>
      %dma_start3A_31 = tpu.memref_slice %arg2[%add3A_22] : memref<3200000xi32, #tpu.memory_space<hbm>> -> memref<10000xi32, #tpu.memory_space<hbm>>
      tpu.enqueue_dma source(%dma_start3A_31 : memref<10000xi32, #tpu.memory_space<hbm>>) target(%arg6 : memref<10000xi32, #tpu.memory_space<vmem>>) target_semaphore(%run_scoped3A : memref<!tpu.dma_semaphore, #tpu.memory_space<semaphore_mem>>)
      %dma_wait3A = tpu.memref_slice %arg2[%add3A_22] : memref<3200000xi32, #tpu.memory_space<hbm>> -> memref<10000xi32, #tpu.memory_space<hbm>>
      %dma_wait3A_32 = tpu.memref_slice %arg2[%add3A_22] : memref<3200000xi32, #tpu.memory_space<hbm>> -> memref<10000xi32, #tpu.memory_space<hbm>>
      tpu.wait_dma2 semaphore(%run_scoped3A : memref<!tpu.dma_semaphore, #tpu.memory_space<semaphore_mem>>) src(%dma_wait3A_32 : memref<10000xi32, #tpu.memory_space<hbm>>) dst(%arg6 : memref<10000xi32, #tpu.memory_space<vmem>>)
      tpu.yield
    }) : () -> ()
    "tpu.region"() ({
      %run_scoped3A = tpu.sem_alloc : memref<!tpu.dma_semaphore, #tpu.memory_space<semaphore_mem>>
      %dma_start3A = arith.constant 0 : i32
      %dma_start3A_31 = tpu.memref_slice %arg8[%dma_start3A] : memref<100000xf32, #tpu.memory_space<vmem_shared>> -> memref<100000xf32, #tpu.memory_space<vmem_shared>>
      tpu.enqueue_indirect_dma source(%arg7 : memref<10000xf32, #tpu.memory_space<vmem>>) target(%dma_start3A_31 : memref<100000xf32, #tpu.memory_space<vmem_shared>>) offsets(%arg6 : memref<10000xi32, #tpu.memory_space<vmem>>) semaphore(%run_scoped3A : memref<!tpu.dma_semaphore, #tpu.memory_space<semaphore_mem>>) {add = true}
      %dma_wait3A = arith.constant 0 : i32
      %dma_wait3A_32 = tpu.memref_slice %arg8[%dma_wait3A] : memref<100000xf32, #tpu.memory_space<vmem_shared>> -> memref<100000xf32, #tpu.memory_space<vmem_shared>>
      tpu.wait_indirect_dma semaphore(%run_scoped3A : memref<!tpu.dma_semaphore, #tpu.memory_space<semaphore_mem>>) src(%arg7 : memref<10000xf32, #tpu.memory_space<vmem>>) dst(%dma_wait3A_32 : memref<100000xf32, #tpu.memory_space<vmem_shared>>)
      tpu.yield
    }) : () -> ()
    %add3A_23 = arith.constant 90000 : i32
    %add3A_24 = arith.addi %add3A, %add3A_23 : i32
    "tpu.region"() ({
      %run_scoped3A = tpu.sem_alloc : memref<!tpu.dma_semaphore, #tpu.memory_space<semaphore_mem>>
      %dma_start3A = tpu.memref_slice %arg2[%add3A_24] : memref<3200000xi32, #tpu.memory_space<hbm>> -> memref<10000xi32, #tpu.memory_space<hbm>>
      %dma_start3A_31 = tpu.memref_slice %arg2[%add3A_24] : memref<3200000xi32, #tpu.memory_space<hbm>> -> memref<10000xi32, #tpu.memory_space<hbm>>
      tpu.enqueue_dma source(%dma_start3A_31 : memref<10000xi32, #tpu.memory_space<hbm>>) target(%arg6 : memref<10000xi32, #tpu.memory_space<vmem>>) target_semaphore(%run_scoped3A : memref<!tpu.dma_semaphore, #tpu.memory_space<semaphore_mem>>)
      %dma_wait3A = tpu.memref_slice %arg2[%add3A_24] : memref<3200000xi32, #tpu.memory_space<hbm>> -> memref<10000xi32, #tpu.memory_space<hbm>>
      %dma_wait3A_32 = tpu.memref_slice %arg2[%add3A_24] : memref<3200000xi32, #tpu.memory_space<hbm>> -> memref<10000xi32, #tpu.memory_space<hbm>>
      tpu.wait_dma2 semaphore(%run_scoped3A : memref<!tpu.dma_semaphore, #tpu.memory_space<semaphore_mem>>) src(%dma_wait3A_32 : memref<10000xi32, #tpu.memory_space<hbm>>) dst(%arg6 : memref<10000xi32, #tpu.memory_space<vmem>>)
      tpu.yield
    }) : () -> ()
    "tpu.region"() ({
      %run_scoped3A = tpu.sem_alloc : memref<!tpu.dma_semaphore, #tpu.memory_space<semaphore_mem>>
      %dma_start3A = arith.constant 0 : i32
      %dma_start3A_31 = tpu.memref_slice %arg8[%dma_start3A] : memref<100000xf32, #tpu.memory_space<vmem_shared>> -> memref<100000xf32, #tpu.memory_space<vmem_shared>>
      tpu.enqueue_indirect_dma source(%arg7 : memref<10000xf32, #tpu.memory_space<vmem>>) target(%dma_start3A_31 : memref<100000xf32, #tpu.memory_space<vmem_shared>>) offsets(%arg6 : memref<10000xi32, #tpu.memory_space<vmem>>) semaphore(%run_scoped3A : memref<!tpu.dma_semaphore, #tpu.memory_space<semaphore_mem>>) {add = true}
      %dma_wait3A = arith.constant 0 : i32
      %dma_wait3A_32 = tpu.memref_slice %arg8[%dma_wait3A] : memref<100000xf32, #tpu.memory_space<vmem_shared>> -> memref<100000xf32, #tpu.memory_space<vmem_shared>>
      tpu.wait_indirect_dma semaphore(%run_scoped3A : memref<!tpu.dma_semaphore, #tpu.memory_space<semaphore_mem>>) src(%arg7 : memref<10000xf32, #tpu.memory_space<vmem>>) dst(%dma_wait3A_32 : memref<100000xf32, #tpu.memory_space<vmem_shared>>)
      tpu.yield
    }) : () -> ()
    %barrier3A_25 = arith.constant 0 : index
    tpu.barrier barrier_id(%barrier3A_25)
    %eq3A_26 = arith.constant 0 : i32
    %eq3A_27 = arith.cmpi eq, %arg1, %eq3A_26 : i32
    %convert_element_type3A_28 = arith.extui %eq3A_27 : i1 to i32
    %cond3A_29 = arith.constant 0 : i32
    %cond3A_30 = arith.cmpi ne, %convert_element_type3A_28, %cond3A_29 : i32
    scf.if %cond3A_30 {
      "tpu.region"() ({
        %run_scoped3A = tpu.sem_alloc : memref<!tpu.dma_semaphore, #tpu.memory_space<semaphore_mem>>
        %dma_start3A = arith.constant 0 : i32
        %dma_start3A_31 = tpu.memref_slice %arg5[%arg0, %dma_start3A] : memref<2x100000xf32, #tpu.memory_space<hbm>> -> memref<1x100000xf32, #tpu.memory_space<hbm>>
        %dma_start3A_32 = tpu.memref_squeeze %dma_start3A_31 : memref<1x100000xf32, #tpu.memory_space<hbm>> -> memref<100000xf32, #tpu.memory_space<hbm>>
        tpu.enqueue_dma source(%arg8 : memref<100000xf32, #tpu.memory_space<vmem_shared>>) target(%dma_start3A_32 : memref<100000xf32, #tpu.memory_space<hbm>>) target_semaphore(%run_scoped3A : memref<!tpu.dma_semaphore, #tpu.memory_space<semaphore_mem>>)
        %dma_wait3A = arith.constant 0 : i32
        %dma_wait3A_33 = tpu.memref_slice %arg5[%arg0, %dma_wait3A] : memref<2x100000xf32, #tpu.memory_space<hbm>> -> memref<1x100000xf32, #tpu.memory_space<hbm>>
        %dma_wait3A_34 = tpu.memref_squeeze %dma_wait3A_33 : memref<1x100000xf32, #tpu.memory_space<hbm>> -> memref<100000xf32, #tpu.memory_space<hbm>>
        tpu.wait_dma2 semaphore(%run_scoped3A : memref<!tpu.dma_semaphore, #tpu.memory_space<semaphore_mem>>) src(%arg8 : memref<100000xf32, #tpu.memory_space<vmem_shared>>) dst(%dma_wait3A_34 : memref<100000xf32, #tpu.memory_space<hbm>>)
        tpu.yield
      }) : () -> ()
    } else {
    }
    return
  }
}

</mosaic_0001>

<sc_bundles>
// kernel: _sc_degree.3.cloned.1.call-start
scs
__scs_entry_jumppad:
0x0: {  	(pc) =	sbr.rel $0x88, $3  }
0x1: {  	(tag) =	ssettag $0x0;
	lr =	simm.s32 $0x1  }
0x2: {  	[smem:$0x3F9E] =	sst lr;
	_ =	strace $0xD0000000  }
0x3: {  	_ = 	snop  }
0x4: {  	_ = 	snop  }
0x5: {  	_ = 	snop  }
0x6: {  	_ = 	snop  }
0x7: {  	_ = 	snop  }
__scs_overlays_trampoline_lowered:
0x8: {  	[smem:$0x3FAD] =	sst s0  }
0x9: {  	[smem:$0x3FAE] =	sst s1  }
0xa: {  	[smem:$0x3FAF] =	sst s2  }
0xb: {  	[smem:$0x3FB0] =	sst s3  }
0xc: {  	[smem:$0x3FB1] =	sst s4  }
0xd: {  	[smem:$0x3FB2] =	sst s5  }
0xe: {  	[smem:$0x3FB3] =	sst s6  }
0xf: {  	[smem:$0x3FB4] =	sst s7  }
0x10: {  	[smem:$0x3FB5] =	sst s8  }
0x11: {  	[smem:$0x3FB6] =	sst s9;
	s0 =	simm.s32 @!p0 $0x0  }
0x12: {  	s1 =	sld [smem:$0x3F9C];
	s0 =	simm.s32 @p0 $0x1  }
0x13: {  	[smem:$0x3FB7] =	sst s0;
	s0 =	simm.s32 @!p1 $0x0  }
0x14: {  	s2 =	sld [smem:$0x3F9B];
	s0 =	simm.s32 @p1 $0x1  }
0x15: {  	[smem:$0x3FB8] =	sst s0;
	s0 =	simm.s32 @!p2 $0x0  }
0x16: {  	s3 =	sld [smem:$0x3FDB];
	s0 =	simm.s32 @p2 $0x1  }
0x17: {  	s4 =	simm.s32 $0x1BF5;
	[smem:$0x3FBA] =	sst s0  }
0x18: {  	s0 =	sld [smem:$0x3F9D];
	_ =	swait.ge [sflag:s4], $0x0  }
0x19: {  	s7 =	sld [smem:$0x3F9E]  }
0x1a: {  	s8 =	sadd.s32 $0xFFFFE003, lr  }
0x1b: {  	s9 =	sadd.s32 $0xFFFFFEF7, lr;
	s5 =	simm.s32 $0xFFFFFFFF;
	p2 =	slt.u32 s8, $0xFFFFF086  }
0x1c: {  	p1 =	slt.u32 s9, $0xF7A;
	s5 =	simm.s32 @!p2 $0x0  }
0x1d: {  	s5 =	simm.s32 @p1 $0x1;
	p0 =	seq.s32 s7, s2  }
0x1e: {  	s7 =	smul.u32 @!p0 $0xF7A, s2;
	p2 =	seq.s32 @!p0 s5, $0x0  }
0x1f: {  	s9 =	smul.u32 $0xF7A, s1;
	s8 =	simm.s32 @!p0 $0x1BF5;
	p2 =	por !p2, p0  }
0x20: {  	[sflag:s8] =	ssyncset.s32 @!p0 $0xFFFFF086;
	s6 =	sadd.s32 @!p0 s3, s7;
	s7 =	simm.s32 @!p0 $0x108  }
0x21: {  	s3 =	sadd.s32 s3, s9;
	s6 =	sadd.s32 @!p0 $0x88, s6;
	s7 =	simm.s32 @p2 $0x1082  }
0x22: {  	[simem:s7], [sflag:s8] =	dma.local @!p0 [hbm:s6], $0xF7A  }
0x23: {  	s9 =	sor.u32 $0xD0000000, s2;
	s6 =	simm.s32 $0x108;
	_ =	swait.ge @!p0 [sflag:s8], $0x0  }
0x24: {  	s3 =	sadd.s32 $0x88, s3;
	s6 =	simm.s32 @!p1 $0x1082;
	[sflag:s4] =	ssyncset.s32 $0xFFFFF086  }
0x25: {  	[simem:s6], [sflag:s4] =	dma.local [hbm:s3], $0xF7A  }
0x26: {  	[smem:$0x3F9E] =	sst s1;
	(tag) =	ssettag s2;
	_ =	strace s9  }
0x27: {  	s1 =	sld [smem:$0x3FAE]  }
0x28: {  	s2 =	sld [smem:$0x3FAF]  }
0x29: {  	s4 =	sld [smem:$0x3FB1]  }
0x2a: {  	p0 =	seq.s32 s5, $0x0;
	s5 =	sld [smem:$0x3FB2]  }
0x2b: {  	s6 =	sld [smem:$0x3FB3]  }
0x2c: {  	s7 =	sld [smem:$0x3FB4]  }
0x2d: {  	s3 =	simm.s32 $0x108;
	s8 =	sld [smem:$0x3FB5]  }
0x2e: {  	s3 =	simm.s32 @!p0 $0x1082;
	s9 =	sld [smem:$0x3FB6]  }
0x2f: {  	lr =	sadd.s32 s0, s3;
	s0 =	sld [smem:$0x3FAD]  }
0x30: {  	s3 =	sld [smem:$0x3FB0]  }
0x31: {  	[smem:$0x3FB9] =	sst s10  }
0x32: {  	s10 =	sld [smem:$0x3FB7];
	_ =	sdelay $0x3  }
0x33: {  	p0 =	seq.s32 s10, $0x1;
	s10 =	sld [smem:$0x3FB9];
	_ =	sdelay $0x3  }
0x34: {  	[smem:$0x3FB9] =	sst s10  }
0x35: {  	s10 =	sld [smem:$0x3FB8];
	_ =	sdelay $0x3  }
0x36: {  	p1 =	seq.s32 s10, $0x1;
	s10 =	sld [smem:$0x3FB9];
	_ =	sdelay $0x3  }
0x37: {  	[smem:$0x3FB9] =	sst s10  }
0x38: {  	s10 =	sld [smem:$0x3FBA]  }
0x39: {  	_ = 	snop;
	(pc) =	sbr.ind lr, $3  }
0x3a: {  	_ = 	snop  }
0x3b: {  	_ = 	snop  }
0x3c: {  	p2 =	seq.s32 s10, $0x1;
	s10 =	sld [smem:$0x3FB9]  }
0x3d: {  	_ =	shalt  }
0x3e: {  	_ =	shalt  }
0x3f: {  	_ =	shalt  }
0x40: {  	_ =	shalt  }
0x41: {  	_ =	shalt  }
0x42: {  	_ =	shalt  }
0x43: {  	_ =	shalt  }
0x44: {  	_ =	shalt  }
0x45: {  	_ =	shalt  }
0x46: {  	_ =	shalt  }
0x47: {  	_ =	shalt  }
0x48: {  	_ =	shalt  }
0x49: {  	_ =	shalt  }
0x4a: {  	_ =	shalt  }
0x4b: {  	_ =	shalt  }
0x4c: {  	_ =	shalt  }
0x4d: {  	_ =	shalt  }
0x4e: {  	_ =	shalt  }
0x4f: {  	_ =	shalt  }
0x50: {  	_ =	shalt  }
0x51: {  	_ =	shalt  }
0x52: {  	_ =	shalt  }
0x53: {  	_ =	shalt  }
0x54: {  	_ =	shalt  }
0x55: {  	_ =	shalt  }
0x56: {  	_ =	shalt  }
0x57: {  	_ =	shalt  }
0x58: {  	_ =	shalt  }
0x59: {  	_ =	shalt  }
0x5a: {  	_ =	shalt  }
0x5b: {  	_ =	shalt  }
0x5c: {  	_ =	shalt  }
0x5d: {  	_ =	shalt  }
0x5e: {  	_ =	shalt  }
0x5f: {  	_ =	shalt  }
0x60: {  	_ =	shalt  }
0x61: {  	_ =	shalt  }
0x62: {  	_ =	shalt  }
0x63: {  	_ =	shalt  }
0x64: {  	_ =	shalt  }
0x65: {  	_ =	shalt  }
0x66: {  	_ =	shalt  }
0x67: {  	_ =	shalt  }
0x68: {  	_ =	shalt  }
0x69: {  	_ =	shalt  }
0x6a: {  	_ =	shalt  }
0x6b: {  	_ =	shalt  }
0x6c: {  	_ =	shalt  }
0x6d: {  	_ =	shalt  }
0x6e: {  	_ =	shalt  }
0x6f: {  	_ =	shalt  }
0x70: {  	_ =	shalt  }
0x71: {  	_ =	shalt  }
0x72: {  	_ =	shalt  }
0x73: {  	_ =	shalt  }
0x74: {  	_ =	shalt  }
0x75: {  	_ =	shalt  }
0x76: {  	_ =	shalt  }
0x77: {  	_ =	shalt  }
0x78: {  	_ =	shalt  }
0x79: {  	_ =	shalt  }
0x7a: {  	_ =	shalt  }
0x7b: {  	_ =	shalt  }
0x7c: {  	_ =	shalt  }
0x7d: {  	_ =	shalt  }
0x7e: {  	_ =	shalt  }
0x7f: {  	_ =	shalt  }
0x80: {  	_ =	shalt  }
0x81: {  	_ =	shalt  }
0x82: {  	_ =	shalt  }
0x83: {  	_ =	shalt  }
0x84: {  	_ =	shalt  }
0x85: {  	_ =	shalt  }
0x86: {  	_ =	shalt  }
0x87: {  	_ =	shalt  }
.Lfunc_end0:
.L_simem_size_0:
called_computation_lowered:
.L_overlay_start_0:
0x88: {  	s2 =	sld [smem:$0x3FD9]  }
0x89: {  	s3 =	sld [smem:$0x3FFE];
	_ =	sdelay $0x1  }
0x8a: {  	s1 =	srdreg.scid  }
0x8b: {  	s0 =	sand.u32 $0x1, s1  }
0x8c: {  	s18 =	sshll.u32 s0, $0xA;
	s2 =	sadd.s32 s3, s2  }
0x8d: {  	s2 =	sadd.s32 s2, s18  }
0x8e: {  	[smem:$0x3FC5] =	sst s2  }
0x8f: {  	_ = 	snop  }
0x90: {  	s2 =	sld [smem:$0x3FC9]  }
0x91: {  	s19 =	sld [smem:$0x3FC8]  }
0x92: {  	s4 =	sld [smem:$0x3FC7]  }
0x93: {  	s5 =	sld [smem:$0x3FD0];
	(tm) =	ssettm $0x1  }
0x94: {  	s6 =	sld [smem:$0x3FFB];
	_ =	sdelay $0x3  }
0x95: {  	_ =	strace s6  }
0x96: {  	s6 =	sld [smem:$0x3FFC];
	_ =	sdelay $0x3  }
0x97: {  	_ =	strace s6  }
0x98: {  	s6 =	sld [smem:$0x3FFD];
	_ =	sdelay $0x3  }
0x99: {  	_ =	strace s6  }
0x9a: {  	_ =	strace $0x8FFFFFFF  }
0x9b: {  	s20 =	sld [smem:$0x3FDB];
	_ =	sdelay $0x1  }
0x9c: {  	s7 =	simm.s32 $_scs_section_size  }
0x9d: {  	s8 =	simm.s32 $_size__tile_overlayer_lowered;
	s9 =	simm.s32 $_tile_overlayer_lowered  }
0x9e: {  	s23 =	simm.s32 $0x1BFF;
	s22 =	sshll.u32 s9, $0x1;
	s6 =	sadd.s32 s7, s20  }
0x9f: {  	s10 =	simm.s32 $0x0;
	s21 =	sshll.u32 s8, $0x1;
	s8 =	sadd.s32 s22, s6  }
0xa0: {  	[timem:s10], [sflag:s23] =	dma.local [hbm:s8], s21  }
0xa1: {  	_ =	swait.ge [sflag:s23], s21  }
0xa2: {  	s7 =	ssub.s32 $0x0, s21;
	[sflag:s23] =	ssyncset.done $0x0  }
0xa3: {  	[sflag:s23] =	ssyncadd.s32 s7;
	_ =	sdelay $0x1  }
0xa4: {  	s24 =	simm.s32 $0x1B8B  }
0xa5: {  	_ =	swait.ge [sflag:s24], $0x1  }
0xa6: {  	[sflag:s24] =	ssyncset.done $0x0  }
0xa7: {  	s25 =	simm.s32 $0x1B8E;
	[sflag:s24] =	ssyncadd.s32 $0xFFFFFFFF  }
0xa8: {  	s26 =	simm.s32 $execute0_lowered;
	[smem:$0x3FD2] =	sst s25  }
0xa9: {  	s7 =	sshll.u32 s26, $0x1;
	_ =	strace $0x80000046;
	[dreg:$0x1] =	wrdreg $0xFFFFFFFF  }
0xaa: {  	s28 =	simm.s32 $_size_execute0_lowered;
	s6 =	sadd.s32 s6, s7;
	[dreg:$0x0] =	wrdreg $0x0  }
0xab: {  	s7 =	sshll.u32 s28, $0x1;
	[dreg:$0x2] =	wrdreg s6  }
0xac: {  	[dreg:$0x3] =	wrdreg s7  }
0xad: {  	[dreg:$0x4] =	wrdreg $0xC0  }
0xae: {  	_ =	task [dreg:s10], $0x5FFFF  }
0xaf: {  	[dreg:$0x1] =	wrdreg $0xFFFFFFFF  }
0xb0: {  	[dreg:$0x0] =	wrdreg $0x60  }
0xb1: {  	[dreg:$0x2] =	wrdreg s2  }
0xb2: {  	[dreg:$0x3] =	wrdreg s19  }
0xb3: {  	[dreg:$0x4] =	wrdreg s4  }
0xb4: {  	[dreg:$0x5] =	wrdreg s5  }
0xb5: {  	[dreg:$0x6] =	wrdreg $0x4F000  }
0xb6: {  	[dreg:$0x7] =	wrdreg $0x9  }
0xb7: {  	_ =	task.clear_ibuf [dreg:s10], $0x8FFFF;
	_ =	strace $0x90000046  }
0xb8: {  	s29 =	simm.s32 $0x9;
	_ =	strace $0x80000048  }
0xb9: {  	_ =	swait.ge [sflag:s29], $0x1  }
0xba: {  	[sflag:s29] =	ssyncadd.s32 $0xFFFFFFFF  }
0xbb: {  	_ =	strace $0x90000048  }
0xbc: {  	_ =	sfence  }
0xbd: {  	s30 =	sld [smem:$0x0];
	_ =	sdelay $0x2  }
0xbe: {  	s31 =	sshll.u32 s1, $0xD;
	s1 =	sshrl.u32 s1, $0x2  }
0xbf: {  	s3 =	sand.u32 $0x4000, s31;
	s1 =	sadd.s32 s1, s30  }
0xc0: {  	s0 =	sor.u32 s3, s0;
	s1 =	sshll.u32 s1, $0x11  }
0xc1: {  	s0 =	sor.u32 s1, s0  }
0xc2: {  	s0 =	sadd.s32 $0x8F2B, s0  }
0xc3: {  	[sflag:s0] =	ssyncadd.remote.s32 $0x1  }
0xc4: {  	_ =	sfence.sel $0xFFFF  }
0xc5: {  	[dreg:$0x0] =	wrdreg $0xFFFFFFFF;
	(pc) =	sbr.abs _section_cstart, $3  }
0xc6: {  	[dreg:$0x1] =	wrdreg $0xFFFFFFFF  }
0xc7: {  	_ =	task.clear_ibuf [dreg:s10], $0x2FFFF;
	_ =	strace $0x9FFFFFFF  }
0xc8: {  	(tm) =	ssettm $0x7FFFFFFF  }
0xc9: {  	_ =	shalt  }
tec
execute0_lowered:
.L_overlay_start_1:
0x0: {  	(tag) =	ssettag $0x1  }
0x1: {  	s3 =	rddreg [dreg:$0x0]  }
0x2: {  	s16 =	rddreg [dreg:$0x1]  }
0x3: {  	s17 =	rddreg [dreg:$0x2]  }
0x4: {  	s0 =	srdreg.scid;
	s7 =	rddreg [dreg:$0x3]  }
0x5: {  	s6 =	stileid.u32;
	s1 =	rddreg [dreg:$0x4];
	s4 =	sand.u32 $0x1, s0  }
0x6: {  	s2 =	simm.s32 $0x0;
	s8 =	smul.u32 $0x186A0, s6;
	s30 =	ssub.s32 $0x2, s4  }
0x7: {  	s0 =	rddreg [dreg:$0x5];
	s5 =	smul.u32 $0x186A00, s4;
	s9 =	sshrl.u32 s30, $0x1  }
0x8: {  	p1 =	por $0x0, $0x0;
	[smem:$0x7FF] =	sst s2;
	s31 =	ssub.s32 s30, s9  }
0x9: {  	p0 =	sne.s32 s6, $0x0;
	s5 =	sadd.s32 s8, s5;
	s8 =	smax.u32 s31, $0x1  }
0xa: {  	s6 =	simm.s32 $0x1;
	_ =	strace $0x80000047;
	s22 =	sadd.s32 $0xFFFFFFFF, s8  }
0xb: {  	s4 =	sshll.u32 s4, $0x4;
	s5 =	sshrl.u32 s5, $0x3;
	p2 =	sne.s32 s22, $0x0  }
.Ltmp0:
0xc: {  	s19 =	sadd.s32 s3, s5;
	s3 =	sadd.s32 s7, s4;
	(pc) =	sbr.rel @!p2 .LBB2_3-.Ltmp0, $4  }
0xd: {  	s4 =	sshrl.u32 @!p0 s1, $0x3;
	s7 =	simm.s32 $0x2780;
	s8 =	simm.s32 $0x2710  }
0xe: {  	s18 =	sadd.s32 $0x4E2, s19;
	s15 =	sadd.s32 $0x9C4, s19;
	s14 =	sadd.s32 $0xEA6, s19  }
0xf: {  	s13 =	sadd.s32 $0x1388, s19;
	s12 =	sadd.s32 $0x186A, s19;
	s11 =	sadd.s32 $0x1D4C, s19  }
0x10: {  	s10 =	sadd.s32 $0x222E, s19;
	s9 =	sadd.s32 $0x2710, s19;
	s5 =	sadd.s32 $0x2BF2, s19  }
0x11: {  	s21 =	simm.s32 @!p0 $0x1C01;
	s20 =	simm.s32 @!p0 $0x1  }
0x12: {  	[spmem:s4], [sflag:s21] =	dma.local @!p0 [hbm:s17], $0x30E0  }
0x13: {  	_ =	swait.ge @!p0 [sflag:s20], $0x30E0  }
0x14: {  	[sflag:s20] =	ssyncset.done @!p0 $0x0  }
0x15: {  	[sflag:s20] =	ssyncadd.s32 @!p0 $0xFFFFCF20  }
0x16: {  	[tilespmem:s7], [sflag:$0x1] =	stream.linear.gather [hbm4b:s16+s2], $0x2780, $0x38;
	[tilespmem:$0x6770] =	vst v63  }
0x17: {  	_ =	swait.ge [sflag:s6], $0x2780  }
0x18: {  	[sflag:s6] =	ssyncset.done $0x0  }
0x19: {  	[sflag:s6] =	ssyncadd.s32 $0xFFFFD880  }
0x1a: {  	[bflag:$0x0] =	sbarrier.arrive $0xFFFF  }
0x1b: {  	[tilespmem:s2], [sflag:$0x1] =	stream.linear.gather [hbm4b:s19+s2], $0x2710, $0x38;
	[tilespmem:$0x6770] =	vst v63  }
0x1c: {  	_ =	swait.ge [sflag:s6], $0x2710  }
0x1d: {  	[sflag:s6] =	ssyncset.done $0x0  }
0x1e: {  	[sflag:s6] =	ssyncadd.s32 $0xFFFFD8F0  }
0x1f: {  	[spmem:s1] =	stream.indirect.scatter.add.f32 [tilespmem:s7], [sflag:$0x1], $0x1, s2, s8, $0xb8;
	[tilespmem:$0x6770] =	vst v63  }
0x20: {  	_ =	swait.ge [sflag:s6], $0x2710  }
0x21: {  	[sflag:s6] =	ssyncset.done $0x0  }
0x22: {  	[sflag:s6] =	ssyncadd.s32 $0xFFFFD8F0  }
0x23: {  	[tilespmem:s2], [sflag:$0x1] =	stream.linear.gather [hbm4b:s18+s2], $0x2710, $0x38;
	[tilespmem:$0x6770] =	vst v63  }
0x24: {  	_ =	swait.ge [sflag:s6], $0x2710  }
0x25: {  	[sflag:s6] =	ssyncset.done $0x0  }
0x26: {  	[sflag:s6] =	ssyncadd.s32 $0xFFFFD8F0  }
0x27: {  	[spmem:s1] =	stream.indirect.scatter.add.f32 [tilespmem:s7], [sflag:$0x1], $0x1, s2, s8, $0xb8;
	[tilespmem:$0x6770] =	vst v63  }
0x28: {  	_ =	swait.ge [sflag:s6], $0x2710  }
0x29: {  	[sflag:s6] =	ssyncset.done $0x0  }
0x2a: {  	[sflag:s6] =	ssyncadd.s32 $0xFFFFD8F0  }
0x2b: {  	[tilespmem:s2], [sflag:$0x1] =	stream.linear.gather [hbm4b:s15+s2], $0x2710, $0x38;
	[tilespmem:$0x6770] =	vst v63  }
0x2c: {  	_ =	swait.ge [sflag:s6], $0x2710  }
0x2d: {  	[sflag:s6] =	ssyncset.done $0x0  }
0x2e: {  	[sflag:s6] =	ssyncadd.s32 $0xFFFFD8F0  }
0x2f: {  	[spmem:s1] =	stream.indirect.scatter.add.f32 [tilespmem:s7], [sflag:$0x1], $0x1, s2, s8, $0xb8;
	[tilespmem:$0x6770] =	vst v63  }
0x30: {  	_ =	swait.ge [sflag:s6], $0x2710  }
0x31: {  	[sflag:s6] =	ssyncset.done $0x0  }
0x32: {  	[sflag:s6] =	ssyncadd.s32 $0xFFFFD8F0  }
0x33: {  	[tilespmem:s2], [sflag:$0x1] =	stream.linear.gather [hbm4b:s14+s2], $0x2710, $0x38;
	[tilespmem:$0x6770] =	vst v63  }
0x34: {  	_ =	swait.ge [sflag:s6], $0x2710  }
0x35: {  	[sflag:s6] =	ssyncset.done $0x0  }
0x36: {  	[sflag:s6] =	ssyncadd.s32 $0xFFFFD8F0  }
0x37: {  	[spmem:s1] =	stream.indirect.scatter.add.f32 [tilespmem:s7], [sflag:$0x1], $0x1, s2, s8, $0xb8;
	[tilespmem:$0x6770] =	vst v63  }
0x38: {  	_ =	swait.ge [sflag:s6], $0x2710  }
0x39: {  	[sflag:s6] =	ssyncset.done $0x0  }
0x3a: {  	[sflag:s6] =	ssyncadd.s32 $0xFFFFD8F0  }
0x3b: {  	[tilespmem:s2], [sflag:$0x1] =	stream.linear.gather [hbm4b:s13+s2], $0x2710, $0x38;
	[tilespmem:$0x6770] =	vst v63  }
0x3c: {  	_ =	swait.ge [sflag:s6], $0x2710  }
0x3d: {  	[sflag:s6] =	ssyncset.done $0x0  }
0x3e: {  	[sflag:s6] =	ssyncadd.s32 $0xFFFFD8F0  }
0x3f: {  	[spmem:s1] =	stream.indirect.scatter.add.f32 [tilespmem:s7], [sflag:$0x1], $0x1, s2, s8, $0xb8;
	[tilespmem:$0x6770] =	vst v63  }
0x40: {  	_ =	swait.ge [sflag:s6], $0x2710  }
0x41: {  	[sflag:s6] =	ssyncset.done $0x0  }
0x42: {  	[sflag:s6] =	ssyncadd.s32 $0xFFFFD8F0  }
0x43: {  	[tilespmem:s2], [sflag:$0x1] =	stream.linear.gather [hbm4b:s12+s2], $0x2710, $0x38;
	[tilespmem:$0x6770] =	vst v63  }
0x44: {  	_ =	swait.ge [sflag:s6], $0x2710  }
0x45: {  	[sflag:s6] =	ssyncset.done $0x0  }
0x46: {  	[sflag:s6] =	ssyncadd.s32 $0xFFFFD8F0  }
0x47: {  	[spmem:s1] =	stream.indirect.scatter.add.f32 [tilespmem:s7], [sflag:$0x1], $0x1, s2, s8, $0xb8;
	[tilespmem:$0x6770] =	vst v63  }
0x48: {  	_ =	swait.ge [sflag:s6], $0x2710  }
0x49: {  	[sflag:s6] =	ssyncset.done $0x0  }
0x4a: {  	[sflag:s6] =	ssyncadd.s32 $0xFFFFD8F0  }
0x4b: {  	[tilespmem:s2], [sflag:$0x1] =	stream.linear.gather [hbm4b:s11+s2], $0x2710, $0x38;
	[tilespmem:$0x6770] =	vst v63  }
0x4c: {  	_ =	swait.ge [sflag:s6], $0x2710  }
0x4d: {  	[sflag:s6] =	ssyncset.done $0x0  }
0x4e: {  	[sflag:s6] =	ssyncadd.s32 $0xFFFFD8F0  }
0x4f: {  	[spmem:s1] =	stream.indirect.scatter.add.f32 [tilespmem:s7], [sflag:$0x1], $0x1, s2, s8, $0xb8;
	[tilespmem:$0x6770] =	vst v63  }
0x50: {  	_ =	swait.ge [sflag:s6], $0x2710  }
0x51: {  	[sflag:s6] =	ssyncset.done $0x0  }
0x52: {  	[sflag:s6] =	ssyncadd.s32 $0xFFFFD8F0  }
0x53: {  	[tilespmem:s2], [sflag:$0x1] =	stream.linear.gather [hbm4b:s10+s2], $0x2710, $0x38;
	[tilespmem:$0x6770] =	vst v63  }
0x54: {  	_ =	swait.ge [sflag:s6], $0x2710  }
0x55: {  	[sflag:s6] =	ssyncset.done $0x0  }
0x56: {  	[sflag:s6] =	ssyncadd.s32 $0xFFFFD8F0  }
0x57: {  	[spmem:s1] =	stream.indirect.scatter.add.f32 [tilespmem:s7], [sflag:$0x1], $0x1, s2, s8, $0xb8;
	[tilespmem:$0x6770] =	vst v63  }
0x58: {  	_ =	swait.ge [sflag:s6], $0x2710  }
0x59: {  	[sflag:s6] =	ssyncset.done $0x0  }
0x5a: {  	[sflag:s6] =	ssyncadd.s32 $0xFFFFD8F0  }
0x5b: {  	[tilespmem:s2], [sflag:$0x1] =	stream.linear.gather [hbm4b:s9+s2], $0x2710, $0x38;
	[tilespmem:$0x6770] =	vst v63  }
0x5c: {  	_ =	swait.ge [sflag:s6], $0x2710  }
0x5d: {  	[sflag:s6] =	ssyncset.done $0x0  }
0x5e: {  	[sflag:s6] =	ssyncadd.s32 $0xFFFFD8F0  }
0x5f: {  	[spmem:s1] =	stream.indirect.scatter.add.f32 [tilespmem:s7], [sflag:$0x1], $0x1, s2, s8, $0xb8;
	[tilespmem:$0x6770] =	vst v63  }
0x60: {  	_ =	swait.ge [sflag:s6], $0x2710  }
0x61: {  	[sflag:s6] =	ssyncset.done $0x0  }
0x62: {  	[sflag:s6] =	ssyncadd.s32 $0xFFFFD8F0  }
0x63: {  	[tilespmem:s2], [sflag:$0x1] =	stream.linear.gather [hbm4b:s5+s2], $0x2710, $0x38;
	[tilespmem:$0x6770] =	vst v63  }
0x64: {  	_ =	swait.ge [sflag:s6], $0x2710  }
0x65: {  	[sflag:s6] =	ssyncset.done $0x0  }
0x66: {  	[sflag:s6] =	ssyncadd.s32 $0xFFFFD8F0  }
0x67: {  	[spmem:s1] =	stream.indirect.scatter.add.f32 [tilespmem:s7], [sflag:$0x1], $0x1, s2, s8, $0xb8;
	[tilespmem:$0x6770] =	vst v63  }
0x68: {  	s22 =	sadd.s32 $0xFFFFFFFF, s22;
	_ =	swait.ge [sflag:s6], $0x2710  }
0x69: {  	p2 =	sne.s32 s22, $0x0;
	[sflag:s6] =	ssyncset.done $0x0  }
.Ltmp1:
0x6a: {  	[sflag:s6] =	ssyncadd.s32 $0xFFFFD8F0;
	(pc) =	sbr.rel @!p2 .LBB2_3-.Ltmp1, $4  }
0x6b: {  	s23 =	simm.s32 @!p0 $0x20;
	s24 =	simm.s32 @!p0 $0x10;
	[bflag:$0x0] =	sbarrier.arrive $0xFFFF  }
0x6c: {  	[hbm:s3@s23], [sflag:s21] =	dma.strided @!p0 [spmem:s4@s24], $0x30E0, s20, $0x10   }
0x6d: {  	_ =	swait.ge @!p0 [sflag:s20], $0x30E0  }
0x6e: {  	p1 =	por $0x1, $0x1;
	[sflag:s20] =	ssyncset.done @!p0 $0x0  }
.LBB2_2:
0x6f: {  	[sflag:s20] =	ssyncadd.s32 @!p0 $0xFFFFCF20  }
0x70: {  	[spmem:s4], [sflag:s21] =	dma.local @!p0 [hbm:s17], $0x30E0  }
0x71: {  	s22 =	sadd.s32 $0xFFFFFFFF, s22;
	_ =	swait.ge @!p0 [sflag:s20], $0x30E0  }
0x72: {  	p2 =	sne.s32 s22, $0x0;
	[sflag:s20] =	ssyncset.done @!p0 $0x0  }
0x73: {  	[sflag:s20] =	ssyncadd.s32 @!p0 $0xFFFFCF20  }
0x74: {  	[tilespmem:s7], [sflag:$0x1] =	stream.linear.gather [hbm4b:s16+s2], $0x2780, $0x38;
	[tilespmem:$0x6770] =	vst v63  }
0x75: {  	_ =	swait.ge [sflag:s6], $0x2780  }
0x76: {  	[sflag:s6] =	ssyncset.done $0x0  }
0x77: {  	[sflag:s6] =	ssyncadd.s32 $0xFFFFD880  }
0x78: {  	[bflag:$0x0] =	sbarrier.arrive $0xFFFF  }
0x79: {  	[tilespmem:s2], [sflag:$0x1] =	stream.linear.gather [hbm4b:s19+s2], $0x2710, $0x38;
	[tilespmem:$0x6770] =	vst v63  }
0x7a: {  	_ =	swait.ge [sflag:s6], $0x2710  }
0x7b: {  	[sflag:s6] =	ssyncset.done $0x0  }
0x7c: {  	[sflag:s6] =	ssyncadd.s32 $0xFFFFD8F0  }
0x7d: {  	[spmem:s1] =	stream.indirect.scatter.add.f32 [tilespmem:s7], [sflag:$0x1], $0x1, s2, s8, $0xb8;
	[tilespmem:$0x6770] =	vst v63  }
0x7e: {  	_ =	swait.ge [sflag:s6], $0x2710  }
0x7f: {  	[sflag:s6] =	ssyncset.done $0x0  }
0x80: {  	[sflag:s6] =	ssyncadd.s32 $0xFFFFD8F0  }
0x81: {  	[tilespmem:s2], [sflag:$0x1] =	stream.linear.gather [hbm4b:s18+s2], $0x2710, $0x38;
	[tilespmem:$0x6770] =	vst v63  }
0x82: {  	_ =	swait.ge [sflag:s6], $0x2710  }
0x83: {  	[sflag:s6] =	ssyncset.done $0x0  }
0x84: {  	[sflag:s6] =	ssyncadd.s32 $0xFFFFD8F0  }
0x85: {  	[spmem:s1] =	stream.indirect.scatter.add.f32 [tilespmem:s7], [sflag:$0x1], $0x1, s2, s8, $0xb8;
	[tilespmem:$0x6770] =	vst v63  }
0x86: {  	_ =	swait.ge [sflag:s6], $0x2710  }
0x87: {  	[sflag:s6] =	ssyncset.done $0x0  }
0x88: {  	[sflag:s6] =	ssyncadd.s32 $0xFFFFD8F0  }
0x89: {  	[tilespmem:s2], [sflag:$0x1] =	stream.linear.gather [hbm4b:s15+s2], $0x2710, $0x38;
	[tilespmem:$0x6770] =	vst v63  }
0x8a: {  	_ =	swait.ge [sflag:s6], $0x2710  }
0x8b: {  	[sflag:s6] =	ssyncset.done $0x0  }
0x8c: {  	[sflag:s6] =	ssyncadd.s32 $0xFFFFD8F0  }
0x8d: {  	[spmem:s1] =	stream.indirect.scatter.add.f32 [tilespmem:s7], [sflag:$0x1], $0x1, s2, s8, $0xb8;
	[tilespmem:$0x6770] =	vst v63  }
0x8e: {  	_ =	swait.ge [sflag:s6], $0x2710  }
0x8f: {  	[sflag:s6] =	ssyncset.done $0x0  }
0x90: {  	[sflag:s6] =	ssyncadd.s32 $0xFFFFD8F0  }
0x91: {  	[tilespmem:s2], [sflag:$0x1] =	stream.linear.gather [hbm4b:s14+s2], $0x2710, $0x38;
	[tilespmem:$0x6770] =	vst v63  }
0x92: {  	_ =	swait.ge [sflag:s6], $0x2710  }
0x93: {  	[sflag:s6] =	ssyncset.done $0x0  }
0x94: {  	[sflag:s6] =	ssyncadd.s32 $0xFFFFD8F0  }
0x95: {  	[spmem:s1] =	stream.indirect.scatter.add.f32 [tilespmem:s7], [sflag:$0x1], $0x1, s2, s8, $0xb8;
	[tilespmem:$0x6770] =	vst v63  }
0x96: {  	_ =	swait.ge [sflag:s6], $0x2710  }
0x97: {  	[sflag:s6] =	ssyncset.done $0x0  }
0x98: {  	[sflag:s6] =	ssyncadd.s32 $0xFFFFD8F0  }
0x99: {  	[tilespmem:s2], [sflag:$0x1] =	stream.linear.gather [hbm4b:s13+s2], $0x2710, $0x38;
	[tilespmem:$0x6770] =	vst v63  }
0x9a: {  	_ =	swait.ge [sflag:s6], $0x2710  }
0x9b: {  	[sflag:s6] =	ssyncset.done $0x0  }
0x9c: {  	[sflag:s6] =	ssyncadd.s32 $0xFFFFD8F0  }
0x9d: {  	[spmem:s1] =	stream.indirect.scatter.add.f32 [tilespmem:s7], [sflag:$0x1], $0x1, s2, s8, $0xb8;
	[tilespmem:$0x6770] =	vst v63  }
0x9e: {  	_ =	swait.ge [sflag:s6], $0x2710  }
0x9f: {  	[sflag:s6] =	ssyncset.done $0x0  }
0xa0: {  	[sflag:s6] =	ssyncadd.s32 $0xFFFFD8F0  }
0xa1: {  	[tilespmem:s2], [sflag:$0x1] =	stream.linear.gather [hbm4b:s12+s2], $0x2710, $0x38;
	[tilespmem:$0x6770] =	vst v63  }
0xa2: {  	_ =	swait.ge [sflag:s6], $0x2710  }
0xa3: {  	[sflag:s6] =	ssyncset.done $0x0  }
0xa4: {  	[sflag:s6] =	ssyncadd.s32 $0xFFFFD8F0  }
0xa5: {  	[spmem:s1] =	stream.indirect.scatter.add.f32 [tilespmem:s7], [sflag:$0x1], $0x1, s2, s8, $0xb8;
	[tilespmem:$0x6770] =	vst v63  }
0xa6: {  	_ =	swait.ge [sflag:s6], $0x2710  }
0xa7: {  	[sflag:s6] =	ssyncset.done $0x0  }
0xa8: {  	[sflag:s6] =	ssyncadd.s32 $0xFFFFD8F0  }
0xa9: {  	[tilespmem:s2], [sflag:$0x1] =	stream.linear.gather [hbm4b:s11+s2], $0x2710, $0x38;
	[tilespmem:$0x6770] =	vst v63  }
0xaa: {  	_ =	swait.ge [sflag:s6], $0x2710  }
0xab: {  	[sflag:s6] =	ssyncset.done $0x0  }
0xac: {  	[sflag:s6] =	ssyncadd.s32 $0xFFFFD8F0  }
0xad: {  	[spmem:s1] =	stream.indirect.scatter.add.f32 [tilespmem:s7], [sflag:$0x1], $0x1, s2, s8, $0xb8;
	[tilespmem:$0x6770] =	vst v63  }
0xae: {  	_ =	swait.ge [sflag:s6], $0x2710  }
0xaf: {  	[sflag:s6] =	ssyncset.done $0x0  }
0xb0: {  	[sflag:s6] =	ssyncadd.s32 $0xFFFFD8F0  }
0xb1: {  	[tilespmem:s2], [sflag:$0x1] =	stream.linear.gather [hbm4b:s10+s2], $0x2710, $0x38;
	[tilespmem:$0x6770] =	vst v63  }
0xb2: {  	_ =	swait.ge [sflag:s6], $0x2710  }
0xb3: {  	[sflag:s6] =	ssyncset.done $0x0  }
0xb4: {  	[sflag:s6] =	ssyncadd.s32 $0xFFFFD8F0  }
0xb5: {  	[spmem:s1] =	stream.indirect.scatter.add.f32 [tilespmem:s7], [sflag:$0x1], $0x1, s2, s8, $0xb8;
	[tilespmem:$0x6770] =	vst v63  }
0xb6: {  	_ =	swait.ge [sflag:s6], $0x2710  }
0xb7: {  	[sflag:s6] =	ssyncset.done $0x0  }
0xb8: {  	[sflag:s6] =	ssyncadd.s32 $0xFFFFD8F0  }
0xb9: {  	[tilespmem:s2], [sflag:$0x1] =	stream.linear.gather [hbm4b:s9+s2], $0x2710, $0x38;
	[tilespmem:$0x6770] =	vst v63  }
0xba: {  	_ =	swait.ge [sflag:s6], $0x2710  }
0xbb: {  	[sflag:s6] =	ssyncset.done $0x0  }
0xbc: {  	[sflag:s6] =	ssyncadd.s32 $0xFFFFD8F0  }
0xbd: {  	[spmem:s1] =	stream.indirect.scatter.add.f32 [tilespmem:s7], [sflag:$0x1], $0x1, s2, s8, $0xb8;
	[tilespmem:$0x6770] =	vst v63  }
0xbe: {  	_ =	swait.ge [sflag:s6], $0x2710  }
0xbf: {  	[sflag:s6] =	ssyncset.done $0x0  }
0xc0: {  	[sflag:s6] =	ssyncadd.s32 $0xFFFFD8F0  }
0xc1: {  	[tilespmem:s2], [sflag:$0x1] =	stream.linear.gather [hbm4b:s5+s2], $0x2710, $0x38;
	[tilespmem:$0x6770] =	vst v63  }
0xc2: {  	_ =	swait.ge [sflag:s6], $0x2710  }
0xc3: {  	[sflag:s6] =	ssyncset.done $0x0  }
0xc4: {  	[sflag:s6] =	ssyncadd.s32 $0xFFFFD8F0  }
0xc5: {  	[spmem:s1] =	stream.indirect.scatter.add.f32 [tilespmem:s7], [sflag:$0x1], $0x1, s2, s8, $0xb8;
	[tilespmem:$0x6770] =	vst v63  }
0xc6: {  	_ =	swait.ge [sflag:s6], $0x2710  }
0xc7: {  	[sflag:s6] =	ssyncset.done $0x0  }
.Ltmp2:
0xc8: {  	[sflag:s6] =	ssyncadd.s32 $0xFFFFD8F0;
	(pc) =	sbr.rel @p2 .LBB2_2-.Ltmp2, $4  }
0xc9: {  	[bflag:$0x0] =	sbarrier.arrive $0xFFFF  }
0xca: {  	[hbm:s3@s23], [sflag:s21] =	dma.strided @!p0 [spmem:s4@s24], $0x30E0, s20, $0x10   }
0xcb: {  	_ =	swait.ge @!p0 [sflag:s20], $0x30E0  }
0xcc: {  	[sflag:s20] =	ssyncset.done @!p0 $0x0  }
.LBB2_3:
0xcd: {  	p1 =	por p0, !p1  }
0xce: {  	s22 =	simm.s32 @!p0 $0x1C01;
	s21 =	simm.s32 @!p0 $0x1;
	[sflag:s20] =	ssyncadd.s32 @!p1 $0xFFFFCF20  }
0xcf: {  	[spmem:s4], [sflag:s22] =	dma.local @!p0 [hbm:s17], $0x30E0  }
0xd0: {  	_ =	swait.ge @!p0 [sflag:s21], $0x30E0  }
0xd1: {  	[sflag:s21] =	ssyncset.done @!p0 $0x0  }
0xd2: {  	[sflag:s21] =	ssyncadd.s32 @!p0 $0xFFFFCF20  }
0xd3: {  	[tilespmem:s7], [sflag:$0x1] =	stream.linear.gather [hbm4b:s16+s2], $0x2780, $0x38;
	[tilespmem:$0x6770] =	vst v63  }
0xd4: {  	_ =	swait.ge [sflag:s6], $0x2780  }
0xd5: {  	[sflag:s6] =	ssyncset.done $0x0  }
0xd6: {  	[sflag:s6] =	ssyncadd.s32 $0xFFFFD880  }
0xd7: {  	[bflag:$0x0] =	sbarrier.arrive $0xFFFF  }
0xd8: {  	[tilespmem:s2], [sflag:$0x1] =	stream.linear.gather [hbm4b:s19+s2], $0x2710, $0x38;
	[tilespmem:$0x6770] =	vst v63  }
0xd9: {  	_ =	swait.ge [sflag:s6], $0x2710  }
0xda: {  	[sflag:s6] =	ssyncset.done $0x0  }
0xdb: {  	[sflag:s6] =	ssyncadd.s32 $0xFFFFD8F0  }
0xdc: {  	[spmem:s1] =	stream.indirect.scatter.add.f32 [tilespmem:s7], [sflag:$0x1], $0x1, s2, s8, $0xb8;
	[tilespmem:$0x6770] =	vst v63  }
0xdd: {  	_ =	swait.ge [sflag:s6], $0x2710  }
0xde: {  	[sflag:s6] =	ssyncset.done $0x0  }
0xdf: {  	[sflag:s6] =	ssyncadd.s32 $0xFFFFD8F0  }
0xe0: {  	[tilespmem:s2], [sflag:$0x1] =	stream.linear.gather [hbm4b:s18+s2], $0x2710, $0x38;
	[tilespmem:$0x6770] =	vst v63  }
0xe1: {  	_ =	swait.ge [sflag:s6], $0x2710  }
0xe2: {  	[sflag:s6] =	ssyncset.done $0x0  }
0xe3: {  	[sflag:s6] =	ssyncadd.s32 $0xFFFFD8F0  }
0xe4: {  	[spmem:s1] =	stream.indirect.scatter.add.f32 [tilespmem:s7], [sflag:$0x1], $0x1, s2, s8, $0xb8;
	[tilespmem:$0x6770] =	vst v63  }
0xe5: {  	_ =	swait.ge [sflag:s6], $0x2710  }
0xe6: {  	[sflag:s6] =	ssyncset.done $0x0  }
0xe7: {  	[sflag:s6] =	ssyncadd.s32 $0xFFFFD8F0  }
0xe8: {  	[tilespmem:s2], [sflag:$0x1] =	stream.linear.gather [hbm4b:s15+s2], $0x2710, $0x38;
	[tilespmem:$0x6770] =	vst v63  }
0xe9: {  	_ =	swait.ge [sflag:s6], $0x2710  }
0xea: {  	[sflag:s6] =	ssyncset.done $0x0  }
0xeb: {  	[sflag:s6] =	ssyncadd.s32 $0xFFFFD8F0  }
0xec: {  	[spmem:s1] =	stream.indirect.scatter.add.f32 [tilespmem:s7], [sflag:$0x1], $0x1, s2, s8, $0xb8;
	[tilespmem:$0x6770] =	vst v63  }
0xed: {  	_ =	swait.ge [sflag:s6], $0x2710  }
0xee: {  	[sflag:s6] =	ssyncset.done $0x0  }
0xef: {  	[sflag:s6] =	ssyncadd.s32 $0xFFFFD8F0  }
0xf0: {  	[tilespmem:s2], [sflag:$0x1] =	stream.linear.gather [hbm4b:s14+s2], $0x2710, $0x38;
	[tilespmem:$0x6770] =	vst v63  }
0xf1: {  	_ =	swait.ge [sflag:s6], $0x2710  }
0xf2: {  	[sflag:s6] =	ssyncset.done $0x0  }
0xf3: {  	[sflag:s6] =	ssyncadd.s32 $0xFFFFD8F0  }
0xf4: {  	[spmem:s1] =	stream.indirect.scatter.add.f32 [tilespmem:s7], [sflag:$0x1], $0x1, s2, s8, $0xb8;
	[tilespmem:$0x6770] =	vst v63  }
0xf5: {  	_ =	swait.ge [sflag:s6], $0x2710  }
0xf6: {  	[sflag:s6] =	ssyncset.done $0x0  }
0xf7: {  	[sflag:s6] =	ssyncadd.s32 $0xFFFFD8F0  }
0xf8: {  	[tilespmem:s2], [sflag:$0x1] =	stream.linear.gather [hbm4b:s13+s2], $0x2710, $0x38;
	[tilespmem:$0x6770] =	vst v63  }
0xf9: {  	_ =	swait.ge [sflag:s6], $0x2710  }
0xfa: {  	[sflag:s6] =	ssyncset.done $0x0  }
0xfb: {  	[sflag:s6] =	ssyncadd.s32 $0xFFFFD8F0  }
0xfc: {  	[spmem:s1] =	stream.indirect.scatter.add.f32 [tilespmem:s7], [sflag:$0x1], $0x1, s2, s8, $0xb8;
	[tilespmem:$0x6770] =	vst v63  }
0xfd: {  	_ =	swait.ge [sflag:s6], $0x2710  }
0xfe: {  	[sflag:s6] =	ssyncset.done $0x0  }
0xff: {  	[sflag:s6] =	ssyncadd.s32 $0xFFFFD8F0  }
0x100: {  	[tilespmem:s2], [sflag:$0x1] =	stream.linear.gather [hbm4b:s12+s2], $0x2710, $0x38;
	[tilespmem:$0x6770] =	vst v63  }
0x101: {  	_ =	swait.ge [sflag:s6], $0x2710  }
0x102: {  	[sflag:s6] =	ssyncset.done $0x0  }
0x103: {  	[sflag:s6] =	ssyncadd.s32 $0xFFFFD8F0  }
0x104: {  	[spmem:s1] =	stream.indirect.scatter.add.f32 [tilespmem:s7], [sflag:$0x1], $0x1, s2, s8, $0xb8;
	[tilespmem:$0x6770] =	vst v63  }
0x105: {  	_ =	swait.ge [sflag:s6], $0x2710  }
0x106: {  	[sflag:s6] =	ssyncset.done $0x0  }
0x107: {  	[sflag:s6] =	ssyncadd.s32 $0xFFFFD8F0  }
0x108: {  	[tilespmem:s2], [sflag:$0x1] =	stream.linear.gather [hbm4b:s11+s2], $0x2710, $0x38;
	[tilespmem:$0x6770] =	vst v63  }
0x109: {  	_ =	swait.ge [sflag:s6], $0x2710  }
0x10a: {  	[sflag:s6] =	ssyncset.done $0x0  }
0x10b: {  	[sflag:s6] =	ssyncadd.s32 $0xFFFFD8F0  }
0x10c: {  	[spmem:s1] =	stream.indirect.scatter.add.f32 [tilespmem:s7], [sflag:$0x1], $0x1, s2, s8, $0xb8;
	[tilespmem:$0x6770] =	vst v63  }
0x10d: {  	_ =	swait.ge [sflag:s6], $0x2710  }
0x10e: {  	[sflag:s6] =	ssyncset.done $0x0  }
0x10f: {  	[sflag:s6] =	ssyncadd.s32 $0xFFFFD8F0  }
0x110: {  	[tilespmem:s2], [sflag:$0x1] =	stream.linear.gather [hbm4b:s10+s2], $0x2710, $0x38;
	[tilespmem:$0x6770] =	vst v63  }
0x111: {  	_ =	swait.ge [sflag:s6], $0x2710  }
0x112: {  	[sflag:s6] =	ssyncset.done $0x0  }
0x113: {  	[sflag:s6] =	ssyncadd.s32 $0xFFFFD8F0  }
0x114: {  	[spmem:s1] =	stream.indirect.scatter.add.f32 [tilespmem:s7], [sflag:$0x1], $0x1, s2, s8, $0xb8;
	[tilespmem:$0x6770] =	vst v63  }
0x115: {  	_ =	swait.ge [sflag:s6], $0x2710  }
0x116: {  	[sflag:s6] =	ssyncset.done $0x0  }
0x117: {  	[sflag:s6] =	ssyncadd.s32 $0xFFFFD8F0  }
0x118: {  	[tilespmem:s2], [sflag:$0x1] =	stream.linear.gather [hbm4b:s9+s2], $0x2710, $0x38;
	[tilespmem:$0x6770] =	vst v63  }
0x119: {  	_ =	swait.ge [sflag:s6], $0x2710  }
0x11a: {  	[sflag:s6] =	ssyncset.done $0x0  }
0x11b: {  	[sflag:s6] =	ssyncadd.s32 $0xFFFFD8F0  }
0x11c: {  	[spmem:s1] =	stream.indirect.scatter.add.f32 [tilespmem:s7], [sflag:$0x1], $0x1, s2, s8, $0xb8;
	[tilespmem:$0x6770] =	vst v63  }
0x11d: {  	_ =	swait.ge [sflag:s6], $0x2710  }
0x11e: {  	[sflag:s6] =	ssyncset.done $0x0  }
0x11f: {  	[sflag:s6] =	ssyncadd.s32 $0xFFFFD8F0  }
0x120: {  	[tilespmem:s2], [sflag:$0x1] =	stream.linear.gather [hbm4b:s5+s2], $0x2710, $0x38;
	[tilespmem:$0x6770] =	vst v63  }
0x121: {  	_ =	swait.ge [sflag:s6], $0x2710  }
0x122: {  	[sflag:s6] =	ssyncset.done $0x0  }
0x123: {  	[sflag:s6] =	ssyncadd.s32 $0xFFFFD8F0  }
0x124: {  	[spmem:s1] =	stream.indirect.scatter.add.f32 [tilespmem:s7], [sflag:$0x1], $0x1, s2, s8, $0xb8;
	[tilespmem:$0x6770] =	vst v63  }
0x125: {  	_ =	swait.ge [sflag:s6], $0x2710  }
0x126: {  	[sflag:s6] =	ssyncset.done $0x0  }
0x127: {  	[sflag:s6] =	ssyncadd.s32 $0xFFFFD8F0  }
0x128: {  	s1 =	simm.s32 @!p0 $0x20;
	s2 =	simm.s32 @!p0 $0x10;
	[bflag:$0x0] =	sbarrier.arrive $0xFFFF  }
0x129: {  	[hbm:s3@s1], [sflag:s22] =	dma.strided @!p0 [spmem:s4@s2], $0x30E0, s21, $0x10   }
0x12a: {  	_ =	swait.ge @!p0 [sflag:s21], $0x30E0  }
0x12b: {  	[sflag:s21] =	ssyncset.done @!p0 $0x0  }
0x12c: {  	[sflag:s21] =	ssyncadd.s32 @!p0 $0xFFFFCF20  }
0x12d: {  	_ =	sfence.sel $0x180000  }
0x12e: {  	[bflag:$0x0] =	sbarrier.arrive $0xFFFF  }
0x12f: {  	_ =	strace $0x90000047  }
0x130: {  	s0 =	sadd.s32 @!p0 $0x100000, s0;
	[bflag:$0x2] =	sbarrier.arrive $0xFFFF  }
0x131: {  	[sflag:s0] =	ssyncadd.tile.s32 @!p0 $0x1;
	_ =	shalt  }
.Lfunc_end2:
_tile_overlayer_lowered:
.L_overlay_start_2:
0x132: {  	(tag) =	ssettag $0x2  }
0x133: {  	s0 =	rddreg [dreg:$0x0];
	s2 =	stileid.u32  }
0x134: {  	s1 =	rddreg [dreg:$0x1];
	p0 =	sne.s32 s2, $0x0  }
0x135: {  	s3 =	rddreg [dreg:$0x2];
	[bflag:$0x3] =	sbarrier.arrive $0xFFFF;
	s2 =	simm.s32 @!p0 $0x1C01  }
0x136: {  	[timem:s3], [sflag:s2] =	dma.local @!p0 [hbm:s0], s1  }
0x137: {  	s0 =	simm.s32 @!p0 $0x1  }
0x138: {  	_ =	swait.ge @!p0 [sflag:s0], s1  }
0x139: {  	s1 =	ssub.s32 @!p0 $0x0, s1;
	[sflag:s0] =	ssyncset.done @!p0 $0x0  }
0x13a: {  	[sflag:s0] =	ssyncadd.s32 @!p0 s1  }
0x13b: {  	[bflag:$0x3] =	sbarrier.arrive $0xFFFF  }
0x13c: {  	_ =	shalt  }

</sc_bundles>
